<compile_context>
chip_gen: v7x
topology: tpu7x:2x2x1
jax: 0.10.2.dev20260603
libtpu: 0.0.44.dev20260713+nightly
codegen_flags: <defaults>
</compile_context>

<pallas_src>
import dataclasses
import functools

import jax
import jax.numpy as jnp
from jax import lax
from jax.experimental import pallas as pl
from jax.experimental.pallas import tpu as pltpu
from jax.experimental.pallas import tpu_sc as plsc

_LANES = 16
_NC = 2
_NS = 16
_NW = _NC * _NS
_DG = 8
_TT = 79
_HC = 2
_NB = 2

_CP = pltpu.CompilerParams()
if "needs_layout_passes" in pltpu.CompilerParams.__dataclass_fields__:
    _CP = dataclasses.replace(_CP, needs_layout_passes=False)


def _sc_call(xP, tP, pe_flat):
    nh, d, nb = xP.shape
    ng = d // _DG
    nbr = _NW // ng
    bw = nb // nbr
    tbl = _TT * _DG * 128

    @functools.partial(
        pl.kernel,
        out_type=jax.ShapeDtypeStruct((nh, d, nb), jnp.float32),
        mesh=plsc.VectorSubcoreMesh(core_axis_name="c", subcore_axis_name="s"),
        scratch_types=(
            [pltpu.VMEM((tbl,), jnp.float32)]
            + [pltpu.VMEM((_HC, _DG, bw), jnp.float32)] * _NB
            + [pltpu.VMEM((_HC, bw), jnp.int32)] * _NB
            + [pltpu.SemaphoreType.DMA] * (3 * _NB)
        ),
        compiler_params=_CP,
    )
    def sc_kernel(x_hbm, t_hbm, pe_hbm, o_hbm, pv, *bufs):
        xb = bufs[:_NB]
        ib = bufs[_NB:2 * _NB]
        sx = bufs[2 * _NB:3 * _NB]
        si = bufs[3 * _NB:4 * _NB]
        so = bufs[4 * _NB:5 * _NB]
        wid = lax.axis_index("c") * _NS + lax.axis_index("s")
        g = wid % ng
        d0 = g * _DG
        b0 = (wid // ng) * bw

        pltpu.sync_copy(pe_hbm.at[pl.ds(g * tbl, tbl)], pv)

        nch = nh // _HC

        def x_copy(c, p):
            return pltpu.make_async_copy(
                x_hbm.at[pl.ds(c * _HC, _HC), pl.ds(d0, _DG), pl.ds(b0, bw)],
                xb[p], sx[p])

        def i_copy(c, p):
            return pltpu.make_async_copy(
                t_hbm.at[pl.ds(c * _HC, _HC), pl.ds(b0, bw)], ib[p], si[p])

        def o_row_copy(c, p, hh):
            return pltpu.make_async_copy(
                xb[p].at[hh],
                o_hbm.at[c * _HC + hh, pl.ds(d0, _DG), pl.ds(b0, bw)],
                so[p])

        def o_wait(c, p):
            for hh in range(_HC):
                o_row_copy(c, p, hh).wait()

        def start_chunk(c, p):
            x_copy(c, p).start()
            i_copy(c, p).start()

        def wait_chunk(c, p):
            x_copy(c, p).wait()
            i_copy(c, p).wait()

        for w in range(_NB - 1):
            start_chunk(w, w)

        @pl.loop(0, nch, step=_NB)
        def _outer(c0):
            for p in range(_NB):
                c = c0 + p
                q = (p + _NB - 1) % _NB

                @pl.when(c + _NB - 1 < nch)
                def _prefetch():
                    @pl.when(c >= 1)
                    def _drain_prev_out():
                        o_wait(c - 1, q)

                    start_chunk(c + _NB - 1, q)

                wait_chunk(c, p)

                for hh in range(_HC):
                    @plsc.parallel_loop(0, bw // _LANES, unroll=8)
                    def _j(j):
                        l0 = j * _LANES
                        tv = ib[p][hh, pl.ds(l0, _LANES)]
                        fb = ((tv >> 7) << 10) + (tv & 127)
                        for dd in range(_DG):
                            gv = plsc.load_gather(
                                pv.at[pl.ds(dd * 128, (_TT - 1) * 1024 + 128)],
                                [fb])
                            plsc.addupdate(
                                xb[p].at[hh, dd, pl.ds(l0, _LANES)], gv)

                    o_row_copy(c, p, hh).start()

        for w in range(_NB):
            c_last = nch - _NB + w
            o_wait(c_last, c_last % _NB)

    return sc_kernel(xP, tP, pe_flat)


@jax.jit
def kernel(x, t, pe):
    n_pe, d = pe.shape
    xP = jnp.transpose(x, (1, 2, 0))
    tP = jnp.transpose(t, (1, 0)).astype(jnp.int32)
    peT = jnp.transpose(pe, (1, 0))
    pePad = jnp.pad(peT, ((0, 0), (0, _TT * 128 - n_pe)))
    pe_flat = (
        pePad.reshape(d // _DG, _DG, _TT, 128)
        .transpose(0, 2, 1, 3)
        .reshape(-1)
    )
    outP = _sc_call(xP, tP, pe_flat)
    return jnp.transpose(outP, (2, 0, 1))

# --- scband reference (transcript-rebuilt; emitter-appended) ---
"""Pipeline reference for scband-temporal-encoding-25623774888278 (READ-ONLY COPY).

The authoritative reference and input builder live on the scoring server;
editing this copy changes nothing except your own understanding.
"""

import jax, jax.numpy as jnp
import numpy as np

D_MODEL = 64
MAX_LEN = 10000
BATCH = 4096
HIST = 200


def make_pe(d_model=D_MODEL, max_len=MAX_LEN):
    position = np.arange(0, max_len, dtype=np.float32)[:, None]
    div_term = np.exp(np.arange(0, d_model, 2).astype(np.float32) * (-np.log(10000.0) / d_model))
    pe = np.zeros((max_len, d_model), dtype=np.float32)
    pe[:, 0::2] = np.sin(position * div_term)
    pe[:, 1::2] = np.cos(position * div_term)
    return jnp.asarray(pe)


def setup_inputs(seed: int = 0) -> dict:
    key = jax.random.key(seed)
    k1, k2 = jax.random.split(key)
    x = jax.random.normal(k1, (BATCH, HIST, D_MODEL), dtype=jnp.float32)
    t = jax.random.randint(k2, (BATCH, HIST), 0, MAX_LEN)
    pe = make_pe()
    return {"x": x, "t": t, "pe": pe}


def reference(x, t, pe):
    # x + self.pe[t.long()]
    return x + jnp.take(pe, t, axis=0)

if __name__ == "__main__":
    import jax
    _d = setup_inputs()
    print(jax.jit(kernel)(*tuple(_d.values())))

</pallas_src>

<mosaic_0001>
#map = affine_map<(d0, d1) -> (0, 0, 0)>
#map1 = affine_map<(d0, d1) -> (0, 0)>
#map2 = affine_map<(d0, d1) -> (0)>
module attributes {stable_mosaic.version = 14 : i64} {
  func.func @sc_kernel(%arg0: i32, %arg1: i32, %arg2: memref<200x64x4096xf32, #tpu.memory_space<hbm>>, %arg3: memref<200x4096xi32, #tpu.memory_space<hbm>>, %arg4: memref<647168xf32, #tpu.memory_space<hbm>>, %arg5: memref<200x64x4096xf32, #tpu.memory_space<hbm>>, %arg6: memref<80896xf32, #tpu.memory_space<vmem>>, %arg7: memref<2x8x1024xf32, #tpu.memory_space<vmem>>, %arg8: memref<2x8x1024xf32, #tpu.memory_space<vmem>>, %arg9: memref<2x1024xi32, #tpu.memory_space<vmem>>, %arg10: memref<2x1024xi32, #tpu.memory_space<vmem>>, %arg11: memref<!tpu.dma_semaphore, #tpu.memory_space<semaphore_mem>>, %arg12: memref<!tpu.dma_semaphore, #tpu.memory_space<semaphore_mem>>, %arg13: memref<!tpu.dma_semaphore, #tpu.memory_space<semaphore_mem>>, %arg14: memref<!tpu.dma_semaphore, #tpu.memory_space<semaphore_mem>>, %arg15: memref<!tpu.dma_semaphore, #tpu.memory_space<semaphore_mem>>, %arg16: memref<!tpu.dma_semaphore, #tpu.memory_space<semaphore_mem>>) attributes {dimension_semantics = [#tpu.dimension_semantics<core_parallel>, #tpu.dimension_semantics<subcore_parallel>], iteration_bounds = array<i64: 2, 16>, scalar_prefetch = 0 : i64, scratch_operands = 11 : i64, tpu.core_type = #tpu.core_type<sc_vector_subcore>, window_params = [{transform_indices = #map}, {transform_indices = #map1}, {transform_indices = #map2}, {transform_indices = #map}]} {
    %mul3A = arith.constant 16 : i32
    %mul3A_0 = arith.muli %arg0, %mul3A : i32
    %add3A = arith.addi %mul3A_0, %arg1 : i32
    %jit3A = arith.constant 8 : i32
    %eq3A = arith.constant 0 : i32
    %eq3A_1 = arith.cmpi eq, %jit3A, %eq3A : i32
    %jit3A_2 = arith.constant 1 : i32
    %select_n3A = arith.select %eq3A_1, %jit3A_2, %jit3A : i32
    %rem3A = arith.remsi %add3A, %select_n3A : i32
    %ne3A = arith.constant 0 : i32
    %ne3A_3 = arith.cmpi ne, %rem3A, %ne3A : i32
    %lt3A = arith.constant 0 : i32
    %lt3A_4 = arith.cmpi slt, %rem3A, %lt3A : i32
    %lt3A_5 = arith.constant 0 : i32
    %lt3A_6 = arith.cmpi slt, %select_n3A, %lt3A_5 : i32
    %ne3A_7 = arith.xori %lt3A_4, %lt3A_6 : i1
    %and3A = arith.andi %ne3A_7, %ne3A_3 : i1
    %add3A_8 = arith.addi %rem3A, %select_n3A : i32
    %select_n3A_9 = arith.select %and3A, %add3A_8, %rem3A : i32
    %mul3A_10 = arith.constant 8 : i32
    %mul3A_11 = arith.muli %select_n3A_9, %mul3A_10 : i32
    %jit3A_12 = arith.constant 8 : i32
    %div3A = arith.divsi %add3A, %jit3A_12 : i32
    %sign3A = arith.constant 0 : i32
    %sign3A_13 = arith.cmpi sgt, %add3A, %sign3A : i32
    %sign3A_14 = arith.extui %sign3A_13 : i1 to i32
    %sign3A_15 = arith.constant 0 : i32
    %sign3A_16 = arith.cmpi slt, %add3A, %sign3A_15 : i32
    %sign3A_17 = arith.extui %sign3A_16 : i1 to i32
    %sign3A_18 = arith.subi %sign3A_14, %sign3A_17 : i32
    %sign3A_19 = arith.constant 0 : i32
    %sign3A_20 = arith.cmpi sgt, %jit3A_12, %sign3A_19 : i32
    %sign3A_21 = arith.extui %sign3A_20 : i1 to i32
    %sign3A_22 = arith.constant 0 : i32
    %sign3A_23 = arith.cmpi slt, %jit3A_12, %sign3A_22 : i32
    %sign3A_24 = arith.extui %sign3A_23 : i1 to i32
    %sign3A_25 = arith.subi %sign3A_21, %sign3A_24 : i32
    %ne3A_26 = arith.cmpi ne, %sign3A_18, %sign3A_25 : i32
    %rem3A_27 = arith.remsi %add3A, %jit3A_12 : i32
    %ne3A_28 = arith.constant 0 : i32
    %ne3A_29 = arith.cmpi ne, %rem3A_27, %ne3A_28 : i32
    %and3A_30 = arith.andi %ne3A_26, %ne3A_29 : i1
    %sub3A = arith.constant 1 : i32
    %sub3A_31 = arith.subi %div3A, %sub3A : i32
    %select_n3A_32 = arith.select %and3A_30, %sub3A_31, %div3A : i32
    %mul3A_33 = arith.constant 1024 : i32
    %mul3A_34 = arith.muli %select_n3A_32, %mul3A_33 : i32
    %mul3A_35 = arith.constant 80896 : i32
    %mul3A_36 = arith.muli %select_n3A_9, %mul3A_35 : i32
    "tpu.region"() ({
      %run_scoped3A = tpu.sem_alloc : memref<!tpu.dma_semaphore, #tpu.memory_space<semaphore_mem>>
      %dma_start3A_103 = tpu.memref_slice %arg4[%mul3A_36] : memref<647168xf32, #tpu.memory_space<hbm>> -> memref<80896xf32, #tpu.memory_space<hbm>>
      %dma_start3A_104 = tpu.memref_slice %arg4[%mul3A_36] : memref<647168xf32, #tpu.memory_space<hbm>> -> memref<80896xf32, #tpu.memory_space<hbm>>
      tpu.enqueue_dma source(%dma_start3A_104 : memref<80896xf32, #tpu.memory_space<hbm>>) target(%arg6 : memref<80896xf32, #tpu.memory_space<vmem>>) target_semaphore(%run_scoped3A : memref<!tpu.dma_semaphore, #tpu.memory_space<semaphore_mem>>)
      %dma_wait3A_105 = tpu.memref_slice %arg4[%mul3A_36] : memref<647168xf32, #tpu.memory_space<hbm>> -> memref<80896xf32, #tpu.memory_space<hbm>>
      %dma_wait3A_106 = tpu.memref_slice %arg4[%mul3A_36] : memref<647168xf32, #tpu.memory_space<hbm>> -> memref<80896xf32, #tpu.memory_space<hbm>>
      tpu.wait_dma2 semaphore(%run_scoped3A : memref<!tpu.dma_semaphore, #tpu.memory_space<semaphore_mem>>) src(%dma_wait3A_106 : memref<80896xf32, #tpu.memory_space<hbm>>) dst(%arg6 : memref<80896xf32, #tpu.memory_space<vmem>>)
      tpu.yield
    }) : () -> ()
    %dma_start3A = arith.constant 0 : i32
    %dma_start3A_37 = tpu.memref_slice %arg2[%dma_start3A, %mul3A_11, %mul3A_34] : memref<200x64x4096xf32, #tpu.memory_space<hbm>> -> memref<2x8x1024xf32, #tpu.memory_space<hbm>>
    %dma_start3A_38 = arith.constant 0 : i32
    %dma_start3A_39 = tpu.memref_slice %arg2[%dma_start3A_38, %mul3A_11, %mul3A_34] : memref<200x64x4096xf32, #tpu.memory_space<hbm>> -> memref<2x8x1024xf32, #tpu.memory_space<hbm>>
    tpu.enqueue_dma source(%dma_start3A_39 : memref<2x8x1024xf32, #tpu.memory_space<hbm>>) target(%arg7 : memref<2x8x1024xf32, #tpu.memory_space<vmem>>) target_semaphore(%arg11 : memref<!tpu.dma_semaphore, #tpu.memory_space<semaphore_mem>>)
    %dma_start3A_40 = arith.constant 0 : i32
    %dma_start3A_41 = tpu.memref_slice %arg3[%dma_start3A_40, %mul3A_34] : memref<200x4096xi32, #tpu.memory_space<hbm>> -> memref<2x1024xi32, #tpu.memory_space<hbm>>
    %dma_start3A_42 = arith.constant 0 : i32
    %dma_start3A_43 = tpu.memref_slice %arg3[%dma_start3A_42, %mul3A_34] : memref<200x4096xi32, #tpu.memory_space<hbm>> -> memref<2x1024xi32, #tpu.memory_space<hbm>>
    tpu.enqueue_dma source(%dma_start3A_43 : memref<2x1024xi32, #tpu.memory_space<hbm>>) target(%arg9 : memref<2x1024xi32, #tpu.memory_space<vmem>>) target_semaphore(%arg13 : memref<!tpu.dma_semaphore, #tpu.memory_space<semaphore_mem>>)
    %scan3A = arith.constant 0 : i32
    %scan3A_44 = arith.constant 50 : i32
    %scan3A_45 = arith.addi %scan3A, %scan3A_44 : i32
    %scan3A_46 = arith.constant 1 : i32
    scf.for %scan3A_103 = %scan3A to %scan3A_45 step %scan3A_46  : i32 {
      %mul3A_104 = arith.constant 2 : i32
      %mul3A_105 = arith.muli %scan3A_103, %mul3A_104 : i32
      %add3A_106 = arith.constant 0 : i32
      %add3A_107 = arith.addi %add3A_106, %mul3A_105 : i32
      %add3A_108 = arith.constant 0 : i32
      %add3A_109 = arith.addi %add3A_107, %add3A_108 : i32
      %add3A_110 = arith.constant 2 : i32
      %add3A_111 = arith.addi %add3A_109, %add3A_110 : i32
      %sub3A_112 = arith.constant 1 : i32
      %sub3A_113 = arith.subi %add3A_111, %sub3A_112 : i32
      %lt3A_114 = arith.constant 100 : i32
      %lt3A_115 = arith.cmpi slt, %sub3A_113, %lt3A_114 : i32
      %convert_element_type3A = arith.extui %lt3A_115 : i1 to i32
      %cond3A = arith.constant 0 : i32
      %cond3A_116 = arith.cmpi ne, %convert_element_type3A, %cond3A : i32
      scf.if %cond3A_116 {
        %ge3A = arith.constant 1 : i32
        %ge3A_223 = arith.cmpi sge, %add3A_109, %ge3A : i32
        %convert_element_type3A_224 = arith.extui %ge3A_223 : i1 to i32
        %cond3A_225 = arith.constant 0 : i32
        %cond3A_226 = arith.cmpi ne, %convert_element_type3A_224, %cond3A_225 : i32
        scf.if %cond3A_226 {
          %sub3A_239 = arith.constant 1 : i32
          %sub3A_240 = arith.subi %add3A_109, %sub3A_239 : i32
          %mul3A_241 = arith.constant 2 : i32
          %mul3A_242 = arith.muli %sub3A_240, %mul3A_241 : i32
          %add3A_243 = arith.constant 0 : i32
          %add3A_244 = arith.addi %mul3A_242, %add3A_243 : i32
          %dma_wait3A_245 = arith.constant 0 : i32
          %dma_wait3A_246 = arith.constant 0 : i32
          %dma_wait3A_247 = arith.constant 0 : i32
          %dma_wait3A_248 = tpu.memref_slice %arg8[%dma_wait3A_245, %dma_wait3A_246, %dma_wait3A_247] : memref<2x8x1024xf32, #tpu.memory_space<vmem>> -> memref<1x8x1024xf32, #tpu.memory_space<vmem>>
          %dma_wait3A_249 = tpu.memref_squeeze %dma_wait3A_248 : memref<1x8x1024xf32, #tpu.memory_space<vmem>> -> memref<8x1024xf32, #tpu.memory_space<vmem>>
          %dma_wait3A_250 = tpu.memref_slice %arg5[%add3A_244, %mul3A_11, %mul3A_34] : memref<200x64x4096xf32, #tpu.memory_space<hbm>> -> memref<1x8x1024xf32, #tpu.memory_space<hbm>>
          %dma_wait3A_251 = tpu.memref_squeeze %dma_wait3A_250 : memref<1x8x1024xf32, #tpu.memory_space<hbm>> -> memref<8x1024xf32, #tpu.memory_space<hbm>>
          %dma_wait3A_252 = tpu.memref_slice %arg5[%add3A_244, %mul3A_11, %mul3A_34] : memref<200x64x4096xf32, #tpu.memory_space<hbm>> -> memref<1x8x1024xf32, #tpu.memory_space<hbm>>
          %dma_wait3A_253 = tpu.memref_squeeze %dma_wait3A_252 : memref<1x8x1024xf32, #tpu.memory_space<hbm>> -> memref<8x1024xf32, #tpu.memory_space<hbm>>
          %dma_wait3A_254 = arith.constant 0 : i32
          %dma_wait3A_255 = arith.constant 0 : i32
          %dma_wait3A_256 = tpu.memref_slice %arg8[%dma_wait3A_245, %dma_wait3A_254, %dma_wait3A_255] : memref<2x8x1024xf32, #tpu.memory_space<vmem>> -> memref<1x8x1024xf32, #tpu.memory_space<vmem>>
          %dma_wait3A_257 = tpu.memref_squeeze %dma_wait3A_256 : memref<1x8x1024xf32, #tpu.memory_space<vmem>> -> memref<8x1024xf32, #tpu.memory_space<vmem>>
          tpu.wait_dma2 semaphore(%arg16 : memref<!tpu.dma_semaphore, #tpu.memory_space<semaphore_mem>>) src(%dma_wait3A_257 : memref<8x1024xf32, #tpu.memory_space<vmem>>) dst(%dma_wait3A_253 : memref<8x1024xf32, #tpu.memory_space<hbm>>)
          %mul3A_258 = arith.constant 2 : i32
          %mul3A_259 = arith.muli %sub3A_240, %mul3A_258 : i32
          %add3A_260 = arith.constant 1 : i32
          %add3A_261 = arith.addi %mul3A_259, %add3A_260 : i32
          %dma_wait3A_262 = arith.constant 1 : i32
          %dma_wait3A_263 = arith.constant 0 : i32
          %dma_wait3A_264 = arith.constant 0 : i32
          %dma_wait3A_265 = tpu.memref_slice %arg8[%dma_wait3A_262, %dma_wait3A_263, %dma_wait3A_264] : memref<2x8x1024xf32, #tpu.memory_space<vmem>> -> memref<1x8x1024xf32, #tpu.memory_space<vmem>>
          %dma_wait3A_266 = tpu.memref_squeeze %dma_wait3A_265 : memref<1x8x1024xf32, #tpu.memory_space<vmem>> -> memref<8x1024xf32, #tpu.memory_space<vmem>>
          %dma_wait3A_267 = tpu.memref_slice %arg5[%add3A_261, %mul3A_11, %mul3A_34] : memref<200x64x4096xf32, #tpu.memory_space<hbm>> -> memref<1x8x1024xf32, #tpu.memory_space<hbm>>
          %dma_wait3A_268 = tpu.memref_squeeze %dma_wait3A_267 : memref<1x8x1024xf32, #tpu.memory_space<hbm>> -> memref<8x1024xf32, #tpu.memory_space<hbm>>
          %dma_wait3A_269 = tpu.memref_slice %arg5[%add3A_261, %mul3A_11, %mul3A_34] : memref<200x64x4096xf32, #tpu.memory_space<hbm>> -> memref<1x8x1024xf32, #tpu.memory_space<hbm>>
          %dma_wait3A_270 = tpu.memref_squeeze %dma_wait3A_269 : memref<1x8x1024xf32, #tpu.memory_space<hbm>> -> memref<8x1024xf32, #tpu.memory_space<hbm>>
          %dma_wait3A_271 = arith.constant 0 : i32
          %dma_wait3A_272 = arith.constant 0 : i32
          %dma_wait3A_273 = tpu.memref_slice %arg8[%dma_wait3A_262, %dma_wait3A_271, %dma_wait3A_272] : memref<2x8x1024xf32, #tpu.memory_space<vmem>> -> memref<1x8x1024xf32, #tpu.memory_space<vmem>>
          %dma_wait3A_274 = tpu.memref_squeeze %dma_wait3A_273 : memref<1x8x1024xf32, #tpu.memory_space<vmem>> -> memref<8x1024xf32, #tpu.memory_space<vmem>>
          tpu.wait_dma2 semaphore(%arg16 : memref<!tpu.dma_semaphore, #tpu.memory_space<semaphore_mem>>) src(%dma_wait3A_274 : memref<8x1024xf32, #tpu.memory_space<vmem>>) dst(%dma_wait3A_270 : memref<8x1024xf32, #tpu.memory_space<hbm>>)
        } else {
        }
        %add3A_227 = arith.constant 2 : i32
        %add3A_228 = arith.addi %add3A_109, %add3A_227 : i32
        %sub3A_229 = arith.constant 1 : i32
        %sub3A_230 = arith.subi %add3A_228, %sub3A_229 : i32
        %mul3A_231 = arith.constant 2 : i32
        %mul3A_232 = arith.muli %sub3A_230, %mul3A_231 : i32
        %dma_start3A_233 = tpu.memref_slice %arg2[%mul3A_232, %mul3A_11, %mul3A_34] : memref<200x64x4096xf32, #tpu.memory_space<hbm>> -> memref<2x8x1024xf32, #tpu.memory_space<hbm>>
        %dma_start3A_234 = tpu.memref_slice %arg2[%mul3A_232, %mul3A_11, %mul3A_34] : memref<200x64x4096xf32, #tpu.memory_space<hbm>> -> memref<2x8x1024xf32, #tpu.memory_space<hbm>>
        tpu.enqueue_dma source(%dma_start3A_234 : memref<2x8x1024xf32, #tpu.memory_space<hbm>>) target(%arg8 : memref<2x8x1024xf32, #tpu.memory_space<vmem>>) target_semaphore(%arg12 : memref<!tpu.dma_semaphore, #tpu.memory_space<semaphore_mem>>)
        %mul3A_235 = arith.constant 2 : i32
        %mul3A_236 = arith.muli %sub3A_230, %mul3A_235 : i32
        %dma_start3A_237 = tpu.memref_slice %arg3[%mul3A_236, %mul3A_34] : memref<200x4096xi32, #tpu.memory_space<hbm>> -> memref<2x1024xi32, #tpu.memory_space<hbm>>
        %dma_start3A_238 = tpu.memref_slice %arg3[%mul3A_236, %mul3A_34] : memref<200x4096xi32, #tpu.memory_space<hbm>> -> memref<2x1024xi32, #tpu.memory_space<hbm>>
        tpu.enqueue_dma source(%dma_start3A_238 : memref<2x1024xi32, #tpu.memory_space<hbm>>) target(%arg10 : memref<2x1024xi32, #tpu.memory_space<vmem>>) target_semaphore(%arg14 : memref<!tpu.dma_semaphore, #tpu.memory_space<semaphore_mem>>)
      } else {
      }
      %mul3A_117 = arith.constant 2 : i32
      %mul3A_118 = arith.muli %add3A_109, %mul3A_117 : i32
      %dma_wait3A_119 = tpu.memref_slice %arg2[%mul3A_118, %mul3A_11, %mul3A_34] : memref<200x64x4096xf32, #tpu.memory_space<hbm>> -> memref<2x8x1024xf32, #tpu.memory_space<hbm>>
      %dma_wait3A_120 = tpu.memref_slice %arg2[%mul3A_118, %mul3A_11, %mul3A_34] : memref<200x64x4096xf32, #tpu.memory_space<hbm>> -> memref<2x8x1024xf32, #tpu.memory_space<hbm>>
      tpu.wait_dma2 semaphore(%arg11 : memref<!tpu.dma_semaphore, #tpu.memory_space<semaphore_mem>>) src(%dma_wait3A_120 : memref<2x8x1024xf32, #tpu.memory_space<hbm>>) dst(%arg7 : memref<2x8x1024xf32, #tpu.memory_space<vmem>>)
      %mul3A_121 = arith.constant 2 : i32
      %mul3A_122 = arith.muli %add3A_109, %mul3A_121 : i32
      %dma_wait3A_123 = tpu.memref_slice %arg3[%mul3A_122, %mul3A_34] : memref<200x4096xi32, #tpu.memory_space<hbm>> -> memref<2x1024xi32, #tpu.memory_space<hbm>>
      %dma_wait3A_124 = tpu.memref_slice %arg3[%mul3A_122, %mul3A_34] : memref<200x4096xi32, #tpu.memory_space<hbm>> -> memref<2x1024xi32, #tpu.memory_space<hbm>>
      tpu.wait_dma2 semaphore(%arg13 : memref<!tpu.dma_semaphore, #tpu.memory_space<semaphore_mem>>) src(%dma_wait3A_124 : memref<2x1024xi32, #tpu.memory_space<hbm>>) dst(%arg9 : memref<2x1024xi32, #tpu.memory_space<vmem>>)
      %parallel_loop3A = arith.constant 0 : i32
      %parallel_loop3A_125 = arith.constant 64 : i32
      %parallel_loop3A_126 = arith.constant 1 : i32
      scf.for %parallel_loop3A_223 = %parallel_loop3A to %parallel_loop3A_125 step %parallel_loop3A_126  : i32 {
        %parallel_loop3A_224 = arith.constant 16 : i32
        %parallel_loop3A_225 = arith.muli %parallel_loop3A_223, %parallel_loop3A_224 : i32
        %parallel_loop3A_226 = arith.constant 0 : i32
        %parallel_loop3A_227 = arith.index_cast %parallel_loop3A_226 : i32 to index
        %parallel_loop3A_228 = arith.index_cast %parallel_loop3A_225 : i32 to index
        %parallel_loop3A_229 = tpu.vector_load %arg9[%parallel_loop3A_227, %parallel_loop3A_228] {strides = array<i32>} : memref<2x1024xi32, #tpu.memory_space<vmem>>, vector<16xi32>,
        %parallel_loop3A_230 = arith.constant 7 : i32
        %parallel_loop3A_231 = vector.broadcast %parallel_loop3A_230 : i32 to vector<16xi32>
        %parallel_loop3A_232 = arith.shrsi %parallel_loop3A_229, %parallel_loop3A_231 : vector<16xi32>
        %parallel_loop3A_233 = arith.constant 10 : i32
        %parallel_loop3A_234 = vector.broadcast %parallel_loop3A_233 : i32 to vector<16xi32>
        %parallel_loop3A_235 = arith.shli %parallel_loop3A_232, %parallel_loop3A_234 : vector<16xi32>
        %parallel_loop3A_236 = arith.constant 127 : i32
        %parallel_loop3A_237 = vector.broadcast %parallel_loop3A_236 : i32 to vector<16xi32>
        %parallel_loop3A_238 = arith.andi %parallel_loop3A_229, %parallel_loop3A_237 : vector<16xi32>
        %parallel_loop3A_239 = arith.addi %parallel_loop3A_235, %parallel_loop3A_238 : vector<16xi32>
        %parallel_loop3A_240 = arith.constant 0 : i32
        %parallel_loop3A_241 = tpu.memref_slice %arg6[%parallel_loop3A_240] : memref<80896xf32, #tpu.memory_space<vmem>> -> memref<80000xf32, #tpu.memory_space<vmem>>
        %parallel_loop3A_242 = tpu.vector_load_idx %parallel_loop3A_241[%parallel_loop3A_239] : memref<80000xf32, #tpu.memory_space<vmem>>[vector<16xi32>], vector<16xf32>,
        %parallel_loop3A_243 = arith.constant 0 : i32
        %parallel_loop3A_244 = arith.constant 0 : i32
        %parallel_loop3A_245 = arith.index_cast %parallel_loop3A_243 : i32 to index
        %parallel_loop3A_246 = arith.index_cast %parallel_loop3A_244 : i32 to index
        %parallel_loop3A_247 = arith.index_cast %parallel_loop3A_225 : i32 to index
        %parallel_loop3A_248 = tpu.vector_load %arg7[%parallel_loop3A_245, %parallel_loop3A_246, %parallel_loop3A_247] {strides = array<i32>} : memref<2x8x1024xf32, #tpu.memory_space<vmem>>, vector<16xf32>,
        tpu.vector_store %arg7[%parallel_loop3A_245, %parallel_loop3A_246, %parallel_loop3A_247], %parallel_loop3A_242 {add = true, strides = array<i32>} : memref<2x8x1024xf32, #tpu.memory_space<vmem>>, vector<16xf32>,
        %parallel_loop3A_249 = arith.constant 128 : i32
        %parallel_loop3A_250 = tpu.memref_slice %arg6[%parallel_loop3A_249] : memref<80896xf32, #tpu.memory_space<vmem>> -> memref<80000xf32, #tpu.memory_space<vmem>>
        %parallel_loop3A_251 = tpu.vector_load_idx %parallel_loop3A_250[%parallel_loop3A_239] : memref<80000xf32, #tpu.memory_space<vmem>>[vector<16xi32>], vector<16xf32>,
        %parallel_loop3A_252 = arith.constant 0 : i32
        %parallel_loop3A_253 = arith.constant 1 : i32
        %parallel_loop3A_254 = arith.index_cast %parallel_loop3A_252 : i32 to index
        %parallel_loop3A_255 = arith.index_cast %parallel_loop3A_253 : i32 to index
        %parallel_loop3A_256 = arith.index_cast %parallel_loop3A_225 : i32 to index
        %parallel_loop3A_257 = tpu.vector_load %arg7[%parallel_loop3A_254, %parallel_loop3A_255, %parallel_loop3A_256] {strides = array<i32>} : memref<2x8x1024xf32, #tpu.memory_space<vmem>>, vector<16xf32>,
        tpu.vector_store %arg7[%parallel_loop3A_254, %parallel_loop3A_255, %parallel_loop3A_256], %parallel_loop3A_251 {add = true, strides = array<i32>} : memref<2x8x1024xf32, #tpu.memory_space<vmem>>, vector<16xf32>,
        %parallel_loop3A_258 = arith.constant 256 : i32
        %parallel_loop3A_259 = tpu.memref_slice %arg6[%parallel_loop3A_258] : memref<80896xf32, #tpu.memory_space<vmem>> -> memref<80000xf32, #tpu.memory_space<vmem>>
        %parallel_loop3A_260 = tpu.vector_load_idx %parallel_loop3A_259[%parallel_loop3A_239] : memref<80000xf32, #tpu.memory_space<vmem>>[vector<16xi32>], vector<16xf32>,
        %parallel_loop3A_261 = arith.constant 0 : i32
        %parallel_loop3A_262 = arith.constant 2 : i32
        %parallel_loop3A_263 = arith.index_cast %parallel_loop3A_261 : i32 to index
        %parallel_loop3A_264 = arith.index_cast %parallel_loop3A_262 : i32 to index
        %parallel_loop3A_265 = arith.index_cast %parallel_loop3A_225 : i32 to index
        %parallel_loop3A_266 = tpu.vector_load %arg7[%parallel_loop3A_263, %parallel_loop3A_264, %parallel_loop3A_265] {strides = array<i32>} : memref<2x8x1024xf32, #tpu.memory_space<vmem>>, vector<16xf32>,
        tpu.vector_store %arg7[%parallel_loop3A_263, %parallel_loop3A_264, %parallel_loop3A_265], %parallel_loop3A_260 {add = true, strides = array<i32>} : memref<2x8x1024xf32, #tpu.memory_space<vmem>>, vector<16xf32>,
        %parallel_loop3A_267 = arith.constant 384 : i32
        %parallel_loop3A_268 = tpu.memref_slice %arg6[%parallel_loop3A_267] : memref<80896xf32, #tpu.memory_space<vmem>> -> memref<80000xf32, #tpu.memory_space<vmem>>
        %parallel_loop3A_269 = tpu.vector_load_idx %parallel_loop3A_268[%parallel_loop3A_239] : memref<80000xf32, #tpu.memory_space<vmem>>[vector<16xi32>], vector<16xf32>,
        %parallel_loop3A_270 = arith.constant 0 : i32
        %parallel_loop3A_271 = arith.constant 3 : i32
        %parallel_loop3A_272 = arith.index_cast %parallel_loop3A_270 : i32 to index
        %parallel_loop3A_273 = arith.index_cast %parallel_loop3A_271 : i32 to index
        %parallel_loop3A_274 = arith.index_cast %parallel_loop3A_225 : i32 to index
        %parallel_loop3A_275 = tpu.vector_load %arg7[%parallel_loop3A_272, %parallel_loop3A_273, %parallel_loop3A_274] {strides = array<i32>} : memref<2x8x1024xf32, #tpu.memory_space<vmem>>, vector<16xf32>,
        tpu.vector_store %arg7[%parallel_loop3A_272, %parallel_loop3A_273, %parallel_loop3A_274], %parallel_loop3A_269 {add = true, strides = array<i32>} : memref<2x8x1024xf32, #tpu.memory_space<vmem>>, vector<16xf32>,
        %parallel_loop3A_276 = arith.constant 512 : i32
        %parallel_loop3A_277 = tpu.memref_slice %arg6[%parallel_loop3A_276] : memref<80896xf32, #tpu.memory_space<vmem>> -> memref<80000xf32, #tpu.memory_space<vmem>>
        %parallel_loop3A_278 = tpu.vector_load_idx %parallel_loop3A_277[%parallel_loop3A_239] : memref<80000xf32, #tpu.memory_space<vmem>>[vector<16xi32>], vector<16xf32>,
        %parallel_loop3A_279 = arith.constant 0 : i32
        %parallel_loop3A_280 = arith.constant 4 : i32
        %parallel_loop3A_281 = arith.index_cast %parallel_loop3A_279 : i32 to index
        %parallel_loop3A_282 = arith.index_cast %parallel_loop3A_280 : i32 to index
        %parallel_loop3A_283 = arith.index_cast %parallel_loop3A_225 : i32 to index
        %parallel_loop3A_284 = tpu.vector_load %arg7[%parallel_loop3A_281, %parallel_loop3A_282, %parallel_loop3A_283] {strides = array<i32>} : memref<2x8x1024xf32, #tpu.memory_space<vmem>>, vector<16xf32>,
        tpu.vector_store %arg7[%parallel_loop3A_281, %parallel_loop3A_282, %parallel_loop3A_283], %parallel_loop3A_278 {add = true, strides = array<i32>} : memref<2x8x1024xf32, #tpu.memory_space<vmem>>, vector<16xf32>,
        %parallel_loop3A_285 = arith.constant 640 : i32
        %parallel_loop3A_286 = tpu.memref_slice %arg6[%parallel_loop3A_285] : memref<80896xf32, #tpu.memory_space<vmem>> -> memref<80000xf32, #tpu.memory_space<vmem>>
        %parallel_loop3A_287 = tpu.vector_load_idx %parallel_loop3A_286[%parallel_loop3A_239] : memref<80000xf32, #tpu.memory_space<vmem>>[vector<16xi32>], vector<16xf32>,
        %parallel_loop3A_288 = arith.constant 0 : i32
        %parallel_loop3A_289 = arith.constant 5 : i32
        %parallel_loop3A_290 = arith.index_cast %parallel_loop3A_288 : i32 to index
        %parallel_loop3A_291 = arith.index_cast %parallel_loop3A_289 : i32 to index
        %parallel_loop3A_292 = arith.index_cast %parallel_loop3A_225 : i32 to index
        %parallel_loop3A_293 = tpu.vector_load %arg7[%parallel_loop3A_290, %parallel_loop3A_291, %parallel_loop3A_292] {strides = array<i32>} : memref<2x8x1024xf32, #tpu.memory_space<vmem>>, vector<16xf32>,
        tpu.vector_store %arg7[%parallel_loop3A_290, %parallel_loop3A_291, %parallel_loop3A_292], %parallel_loop3A_287 {add = true, strides = array<i32>} : memref<2x8x1024xf32, #tpu.memory_space<vmem>>, vector<16xf32>,
        %parallel_loop3A_294 = arith.constant 768 : i32
        %parallel_loop3A_295 = tpu.memref_slice %arg6[%parallel_loop3A_294] : memref<80896xf32, #tpu.memory_space<vmem>> -> memref<80000xf32, #tpu.memory_space<vmem>>
        %parallel_loop3A_296 = tpu.vector_load_idx %parallel_loop3A_295[%parallel_loop3A_239] : memref<80000xf32, #tpu.memory_space<vmem>>[vector<16xi32>], vector<16xf32>,
        %parallel_loop3A_297 = arith.constant 0 : i32
        %parallel_loop3A_298 = arith.constant 6 : i32
        %parallel_loop3A_299 = arith.index_cast %parallel_loop3A_297 : i32 to index
        %parallel_loop3A_300 = arith.index_cast %parallel_loop3A_298 : i32 to index
        %parallel_loop3A_301 = arith.index_cast %parallel_loop3A_225 : i32 to index
        %parallel_loop3A_302 = tpu.vector_load %arg7[%parallel_loop3A_299, %parallel_loop3A_300, %parallel_loop3A_301] {strides = array<i32>} : memref<2x8x1024xf32, #tpu.memory_space<vmem>>, vector<16xf32>,
        tpu.vector_store %arg7[%parallel_loop3A_299, %parallel_loop3A_300, %parallel_loop3A_301], %parallel_loop3A_296 {add = true, strides = array<i32>} : memref<2x8x1024xf32, #tpu.memory_space<vmem>>, vector<16xf32>,
        %parallel_loop3A_303 = arith.constant 896 : i32
        %parallel_loop3A_304 = tpu.memref_slice %arg6[%parallel_loop3A_303] : memref<80896xf32, #tpu.memory_space<vmem>> -> memref<80000xf32, #tpu.memory_space<vmem>>
        %parallel_loop3A_305 = tpu.vector_load_idx %parallel_loop3A_304[%parallel_loop3A_239] : memref<80000xf32, #tpu.memory_space<vmem>>[vector<16xi32>], vector<16xf32>,
        %parallel_loop3A_306 = arith.constant 0 : i32
        %parallel_loop3A_307 = arith.constant 7 : i32
        %parallel_loop3A_308 = arith.index_cast %parallel_loop3A_306 : i32 to index
        %parallel_loop3A_309 = arith.index_cast %parallel_loop3A_307 : i32 to index
        %parallel_loop3A_310 = arith.index_cast %parallel_loop3A_225 : i32 to index
        %parallel_loop3A_311 = tpu.vector_load %arg7[%parallel_loop3A_308, %parallel_loop3A_309, %parallel_loop3A_310] {strides = array<i32>} : memref<2x8x1024xf32, #tpu.memory_space<vmem>>, vector<16xf32>,
        tpu.vector_store %arg7[%parallel_loop3A_308, %parallel_loop3A_309, %parallel_loop3A_310], %parallel_loop3A_305 {add = true, strides = array<i32>} : memref<2x8x1024xf32, #tpu.memory_space<vmem>>, vector<16xf32>,
      } {sc.loop_unroll_factor = 8 : i64, sc.parallel_access}
      %mul3A_127 = arith.constant 2 : i32
      %mul3A_128 = arith.muli %add3A_109, %mul3A_127 : i32
      %add3A_129 = arith.constant 0 : i32
      %add3A_130 = arith.addi %mul3A_128, %add3A_129 : i32
      %dma_start3A_131 = arith.constant 0 : i32
      %dma_start3A_132 = arith.constant 0 : i32
      %dma_start3A_133 = arith.constant 0 : i32
      %dma_start3A_134 = tpu.memref_slice %arg7[%dma_start3A_131, %dma_start3A_132, %dma_start3A_133] : memref<2x8x1024xf32, #tpu.memory_space<vmem>> -> memref<1x8x1024xf32, #tpu.memory_space<vmem>>
      %dma_start3A_135 = tpu.memref_squeeze %dma_start3A_134 : memref<1x8x1024xf32, #tpu.memory_space<vmem>> -> memref<8x1024xf32, #tpu.memory_space<vmem>>
      %dma_start3A_136 = tpu.memref_slice %arg5[%add3A_130, %mul3A_11, %mul3A_34] : memref<200x64x4096xf32, #tpu.memory_space<hbm>> -> memref<1x8x1024xf32, #tpu.memory_space<hbm>>
      %dma_start3A_137 = tpu.memref_squeeze %dma_start3A_136 : memref<1x8x1024xf32, #tpu.memory_space<hbm>> -> memref<8x1024xf32, #tpu.memory_space<hbm>>
      %dma_start3A_138 = tpu.memref_slice %arg5[%add3A_130, %mul3A_11, %mul3A_34] : memref<200x64x4096xf32, #tpu.memory_space<hbm>> -> memref<1x8x1024xf32, #tpu.memory_space<hbm>>
      %dma_start3A_139 = tpu.memref_squeeze %dma_start3A_138 : memref<1x8x1024xf32, #tpu.memory_space<hbm>> -> memref<8x1024xf32, #tpu.memory_space<hbm>>
      %dma_start3A_140 = arith.constant 0 : i32
      %dma_start3A_141 = arith.constant 0 : i32
      %dma_start3A_142 = tpu.memref_slice %arg7[%dma_start3A_131, %dma_start3A_140, %dma_start3A_141] : memref<2x8x1024xf32, #tpu.memory_space<vmem>> -> memref<1x8x1024xf32, #tpu.memory_space<vmem>>
      %dma_start3A_143 = tpu.memref_squeeze %dma_start3A_142 : memref<1x8x1024xf32, #tpu.memory_space<vmem>> -> memref<8x1024xf32, #tpu.memory_space<vmem>>
      tpu.enqueue_dma source(%dma_start3A_143 : memref<8x1024xf32, #tpu.memory_space<vmem>>) target(%dma_start3A_139 : memref<8x1024xf32, #tpu.memory_space<hbm>>) target_semaphore(%arg15 : memref<!tpu.dma_semaphore, #tpu.memory_space<semaphore_mem>>)
      %parallel_loop3A_144 = arith.constant 0 : i32
      %parallel_loop3A_145 = arith.constant 64 : i32
      %parallel_loop3A_146 = arith.constant 1 : i32
      scf.for %parallel_loop3A_223 = %parallel_loop3A_144 to %parallel_loop3A_145 step %parallel_loop3A_146  : i32 {
        %parallel_loop3A_224 = arith.constant 16 : i32
        %parallel_loop3A_225 = arith.muli %parallel_loop3A_223, %parallel_loop3A_224 : i32
        %parallel_loop3A_226 = arith.constant 1 : i32
        %parallel_loop3A_227 = arith.index_cast %parallel_loop3A_226 : i32 to index
        %parallel_loop3A_228 = arith.index_cast %parallel_loop3A_225 : i32 to index
        %parallel_loop3A_229 = tpu.vector_load %arg9[%parallel_loop3A_227, %parallel_loop3A_228] {strides = array<i32>} : memref<2x1024xi32, #tpu.memory_space<vmem>>, vector<16xi32>,
        %parallel_loop3A_230 = arith.constant 7 : i32
        %parallel_loop3A_231 = vector.broadcast %parallel_loop3A_230 : i32 to vector<16xi32>
        %parallel_loop3A_232 = arith.shrsi %parallel_loop3A_229, %parallel_loop3A_231 : vector<16xi32>
        %parallel_loop3A_233 = arith.constant 10 : i32
        %parallel_loop3A_234 = vector.broadcast %parallel_loop3A_233 : i32 to vector<16xi32>
        %parallel_loop3A_235 = arith.shli %parallel_loop3A_232, %parallel_loop3A_234 : vector<16xi32>
        %parallel_loop3A_236 = arith.constant 127 : i32
        %parallel_loop3A_237 = vector.broadcast %parallel_loop3A_236 : i32 to vector<16xi32>
        %parallel_loop3A_238 = arith.andi %parallel_loop3A_229, %parallel_loop3A_237 : vector<16xi32>
        %parallel_loop3A_239 = arith.addi %parallel_loop3A_235, %parallel_loop3A_238 : vector<16xi32>
        %parallel_loop3A_240 = arith.constant 0 : i32
        %parallel_loop3A_241 = tpu.memref_slice %arg6[%parallel_loop3A_240] : memref<80896xf32, #tpu.memory_space<vmem>> -> memref<80000xf32, #tpu.memory_space<vmem>>
        %parallel_loop3A_242 = tpu.vector_load_idx %parallel_loop3A_241[%parallel_loop3A_239] : memref<80000xf32, #tpu.memory_space<vmem>>[vector<16xi32>], vector<16xf32>,
        %parallel_loop3A_243 = arith.constant 1 : i32
        %parallel_loop3A_244 = arith.constant 0 : i32
        %parallel_loop3A_245 = arith.index_cast %parallel_loop3A_243 : i32 to index
        %parallel_loop3A_246 = arith.index_cast %parallel_loop3A_244 : i32 to index
        %parallel_loop3A_247 = arith.index_cast %parallel_loop3A_225 : i32 to index
        %parallel_loop3A_248 = tpu.vector_load %arg7[%parallel_loop3A_245, %parallel_loop3A_246, %parallel_loop3A_247] {strides = array<i32>} : memref<2x8x1024xf32, #tpu.memory_space<vmem>>, vector<16xf32>,
        tpu.vector_store %arg7[%parallel_loop3A_245, %parallel_loop3A_246, %parallel_loop3A_247], %parallel_loop3A_242 {add = true, strides = array<i32>} : memref<2x8x1024xf32, #tpu.memory_space<vmem>>, vector<16xf32>,
        %parallel_loop3A_249 = arith.constant 128 : i32
        %parallel_loop3A_250 = tpu.memref_slice %arg6[%parallel_loop3A_249] : memref<80896xf32, #tpu.memory_space<vmem>> -> memref<80000xf32, #tpu.memory_space<vmem>>
        %parallel_loop3A_251 = tpu.vector_load_idx %parallel_loop3A_250[%parallel_loop3A_239] : memref<80000xf32, #tpu.memory_space<vmem>>[vector<16xi32>], vector<16xf32>,
        %parallel_loop3A_252 = arith.constant 1 : i32
        %parallel_loop3A_253 = arith.constant 1 : i32
        %parallel_loop3A_254 = arith.index_cast %parallel_loop3A_252 : i32 to index
        %parallel_loop3A_255 = arith.index_cast %parallel_loop3A_253 : i32 to index
        %parallel_loop3A_256 = arith.index_cast %parallel_loop3A_225 : i32 to index
        %parallel_loop3A_257 = tpu.vector_load %arg7[%parallel_loop3A_254, %parallel_loop3A_255, %parallel_loop3A_256] {strides = array<i32>} : memref<2x8x1024xf32, #tpu.memory_space<vmem>>, vector<16xf32>,
        tpu.vector_store %arg7[%parallel_loop3A_254, %parallel_loop3A_255, %parallel_loop3A_256], %parallel_loop3A_251 {add = true, strides = array<i32>} : memref<2x8x1024xf32, #tpu.memory_space<vmem>>, vector<16xf32>,
        %parallel_loop3A_258 = arith.constant 256 : i32
        %parallel_loop3A_259 = tpu.memref_slice %arg6[%parallel_loop3A_258] : memref<80896xf32, #tpu.memory_space<vmem>> -> memref<80000xf32, #tpu.memory_space<vmem>>
        %parallel_loop3A_260 = tpu.vector_load_idx %parallel_loop3A_259[%parallel_loop3A_239] : memref<80000xf32, #tpu.memory_space<vmem>>[vector<16xi32>], vector<16xf32>,
        %parallel_loop3A_261 = arith.constant 1 : i32
        %parallel_loop3A_262 = arith.constant 2 : i32
        %parallel_loop3A_263 = arith.index_cast %parallel_loop3A_261 : i32 to index
        %parallel_loop3A_264 = arith.index_cast %parallel_loop3A_262 : i32 to index
        %parallel_loop3A_265 = arith.index_cast %parallel_loop3A_225 : i32 to index
        %parallel_loop3A_266 = tpu.vector_load %arg7[%parallel_loop3A_263, %parallel_loop3A_264, %parallel_loop3A_265] {strides = array<i32>} : memref<2x8x1024xf32, #tpu.memory_space<vmem>>, vector<16xf32>,
        tpu.vector_store %arg7[%parallel_loop3A_263, %parallel_loop3A_264, %parallel_loop3A_265], %parallel_loop3A_260 {add = true, strides = array<i32>} : memref<2x8x1024xf32, #tpu.memory_space<vmem>>, vector<16xf32>,
        %parallel_loop3A_267 = arith.constant 384 : i32
        %parallel_loop3A_268 = tpu.memref_slice %arg6[%parallel_loop3A_267] : memref<80896xf32, #tpu.memory_space<vmem>> -> memref<80000xf32, #tpu.memory_space<vmem>>
        %parallel_loop3A_269 = tpu.vector_load_idx %parallel_loop3A_268[%parallel_loop3A_239] : memref<80000xf32, #tpu.memory_space<vmem>>[vector<16xi32>], vector<16xf32>,
        %parallel_loop3A_270 = arith.constant 1 : i32
        %parallel_loop3A_271 = arith.constant 3 : i32
        %parallel_loop3A_272 = arith.index_cast %parallel_loop3A_270 : i32 to index
        %parallel_loop3A_273 = arith.index_cast %parallel_loop3A_271 : i32 to index
        %parallel_loop3A_274 = arith.index_cast %parallel_loop3A_225 : i32 to index
        %parallel_loop3A_275 = tpu.vector_load %arg7[%parallel_loop3A_272, %parallel_loop3A_273, %parallel_loop3A_274] {strides = array<i32>} : memref<2x8x1024xf32, #tpu.memory_space<vmem>>, vector<16xf32>,
        tpu.vector_store %arg7[%parallel_loop3A_272, %parallel_loop3A_273, %parallel_loop3A_274], %parallel_loop3A_269 {add = true, strides = array<i32>} : memref<2x8x1024xf32, #tpu.memory_space<vmem>>, vector<16xf32>,
        %parallel_loop3A_276 = arith.constant 512 : i32
        %parallel_loop3A_277 = tpu.memref_slice %arg6[%parallel_loop3A_276] : memref<80896xf32, #tpu.memory_space<vmem>> -> memref<80000xf32, #tpu.memory_space<vmem>>
        %parallel_loop3A_278 = tpu.vector_load_idx %parallel_loop3A_277[%parallel_loop3A_239] : memref<80000xf32, #tpu.memory_space<vmem>>[vector<16xi32>], vector<16xf32>,
        %parallel_loop3A_279 = arith.constant 1 : i32
        %parallel_loop3A_280 = arith.constant 4 : i32
        %parallel_loop3A_281 = arith.index_cast %parallel_loop3A_279 : i32 to index
        %parallel_loop3A_282 = arith.index_cast %parallel_loop3A_280 : i32 to index
        %parallel_loop3A_283 = arith.index_cast %parallel_loop3A_225 : i32 to index
        %parallel_loop3A_284 = tpu.vector_load %arg7[%parallel_loop3A_281, %parallel_loop3A_282, %parallel_loop3A_283] {strides = array<i32>} : memref<2x8x1024xf32, #tpu.memory_space<vmem>>, vector<16xf32>,
        tpu.vector_store %arg7[%parallel_loop3A_281, %parallel_loop3A_282, %parallel_loop3A_283], %parallel_loop3A_278 {add = true, strides = array<i32>} : memref<2x8x1024xf32, #tpu.memory_space<vmem>>, vector<16xf32>,
        %parallel_loop3A_285 = arith.constant 640 : i32
        %parallel_loop3A_286 = tpu.memref_slice %arg6[%parallel_loop3A_285] : memref<80896xf32, #tpu.memory_space<vmem>> -> memref<80000xf32, #tpu.memory_space<vmem>>
        %parallel_loop3A_287 = tpu.vector_load_idx %parallel_loop3A_286[%parallel_loop3A_239] : memref<80000xf32, #tpu.memory_space<vmem>>[vector<16xi32>], vector<16xf32>,
        %parallel_loop3A_288 = arith.constant 1 : i32
        %parallel_loop3A_289 = arith.constant 5 : i32
        %parallel_loop3A_290 = arith.index_cast %parallel_loop3A_288 : i32 to index
        %parallel_loop3A_291 = arith.index_cast %parallel_loop3A_289 : i32 to index
        %parallel_loop3A_292 = arith.index_cast %parallel_loop3A_225 : i32 to index
        %parallel_loop3A_293 = tpu.vector_load %arg7[%parallel_loop3A_290, %parallel_loop3A_291, %parallel_loop3A_292] {strides = array<i32>} : memref<2x8x1024xf32, #tpu.memory_space<vmem>>, vector<16xf32>,
        tpu.vector_store %arg7[%parallel_loop3A_290, %parallel_loop3A_291, %parallel_loop3A_292], %parallel_loop3A_287 {add = true, strides = array<i32>} : memref<2x8x1024xf32, #tpu.memory_space<vmem>>, vector<16xf32>,
        %parallel_loop3A_294 = arith.constant 768 : i32
        %parallel_loop3A_295 = tpu.memref_slice %arg6[%parallel_loop3A_294] : memref<80896xf32, #tpu.memory_space<vmem>> -> memref<80000xf32, #tpu.memory_space<vmem>>
        %parallel_loop3A_296 = tpu.vector_load_idx %parallel_loop3A_295[%parallel_loop3A_239] : memref<80000xf32, #tpu.memory_space<vmem>>[vector<16xi32>], vector<16xf32>,
        %parallel_loop3A_297 = arith.constant 1 : i32
        %parallel_loop3A_298 = arith.constant 6 : i32
        %parallel_loop3A_299 = arith.index_cast %parallel_loop3A_297 : i32 to index
        %parallel_loop3A_300 = arith.index_cast %parallel_loop3A_298 : i32 to index
        %parallel_loop3A_301 = arith.index_cast %parallel_loop3A_225 : i32 to index
        %parallel_loop3A_302 = tpu.vector_load %arg7[%parallel_loop3A_299, %parallel_loop3A_300, %parallel_loop3A_301] {strides = array<i32>} : memref<2x8x1024xf32, #tpu.memory_space<vmem>>, vector<16xf32>,
        tpu.vector_store %arg7[%parallel_loop3A_299, %parallel_loop3A_300, %parallel_loop3A_301], %parallel_loop3A_296 {add = true, strides = array<i32>} : memref<2x8x1024xf32, #tpu.memory_space<vmem>>, vector<16xf32>,
        %parallel_loop3A_303 = arith.constant 896 : i32
        %parallel_loop3A_304 = tpu.memref_slice %arg6[%parallel_loop3A_303] : memref<80896xf32, #tpu.memory_space<vmem>> -> memref<80000xf32, #tpu.memory_space<vmem>>
        %parallel_loop3A_305 = tpu.vector_load_idx %parallel_loop3A_304[%parallel_loop3A_239] : memref<80000xf32, #tpu.memory_space<vmem>>[vector<16xi32>], vector<16xf32>,
        %parallel_loop3A_306 = arith.constant 1 : i32
        %parallel_loop3A_307 = arith.constant 7 : i32
        %parallel_loop3A_308 = arith.index_cast %parallel_loop3A_306 : i32 to index
        %parallel_loop3A_309 = arith.index_cast %parallel_loop3A_307 : i32 to index
        %parallel_loop3A_310 = arith.index_cast %parallel_loop3A_225 : i32 to index
        %parallel_loop3A_311 = tpu.vector_load %arg7[%parallel_loop3A_308, %parallel_loop3A_309, %parallel_loop3A_310] {strides = array<i32>} : memref<2x8x1024xf32, #tpu.memory_space<vmem>>, vector<16xf32>,
        tpu.vector_store %arg7[%parallel_loop3A_308, %parallel_loop3A_309, %parallel_loop3A_310], %parallel_loop3A_305 {add = true, strides = array<i32>} : memref<2x8x1024xf32, #tpu.memory_space<vmem>>, vector<16xf32>,
      } {sc.loop_unroll_factor = 8 : i64, sc.parallel_access}
      %mul3A_147 = arith.constant 2 : i32
      %mul3A_148 = arith.muli %add3A_109, %mul3A_147 : i32
      %add3A_149 = arith.constant 1 : i32
      %add3A_150 = arith.addi %mul3A_148, %add3A_149 : i32
      %dma_start3A_151 = arith.constant 1 : i32
      %dma_start3A_152 = arith.constant 0 : i32
      %dma_start3A_153 = arith.constant 0 : i32
      %dma_start3A_154 = tpu.memref_slice %arg7[%dma_start3A_151, %dma_start3A_152, %dma_start3A_153] : memref<2x8x1024xf32, #tpu.memory_space<vmem>> -> memref<1x8x1024xf32, #tpu.memory_space<vmem>>
      %dma_start3A_155 = tpu.memref_squeeze %dma_start3A_154 : memref<1x8x1024xf32, #tpu.memory_space<vmem>> -> memref<8x1024xf32, #tpu.memory_space<vmem>>
      %dma_start3A_156 = tpu.memref_slice %arg5[%add3A_150, %mul3A_11, %mul3A_34] : memref<200x64x4096xf32, #tpu.memory_space<hbm>> -> memref<1x8x1024xf32, #tpu.memory_space<hbm>>
      %dma_start3A_157 = tpu.memref_squeeze %dma_start3A_156 : memref<1x8x1024xf32, #tpu.memory_space<hbm>> -> memref<8x1024xf32, #tpu.memory_space<hbm>>
      %dma_start3A_158 = tpu.memref_slice %arg5[%add3A_150, %mul3A_11, %mul3A_34] : memref<200x64x4096xf32, #tpu.memory_space<hbm>> -> memref<1x8x1024xf32, #tpu.memory_space<hbm>>
      %dma_start3A_159 = tpu.memref_squeeze %dma_start3A_158 : memref<1x8x1024xf32, #tpu.memory_space<hbm>> -> memref<8x1024xf32, #tpu.memory_space<hbm>>
      %dma_start3A_160 = arith.constant 0 : i32
      %dma_start3A_161 = arith.constant 0 : i32
      %dma_start3A_162 = tpu.memref_slice %arg7[%dma_start3A_151, %dma_start3A_160, %dma_start3A_161] : memref<2x8x1024xf32, #tpu.memory_space<vmem>> -> memref<1x8x1024xf32, #tpu.memory_space<vmem>>
      %dma_start3A_163 = tpu.memref_squeeze %dma_start3A_162 : memref<1x8x1024xf32, #tpu.memory_space<vmem>> -> memref<8x1024xf32, #tpu.memory_space<vmem>>
      tpu.enqueue_dma source(%dma_start3A_163 : memref<8x1024xf32, #tpu.memory_space<vmem>>) target(%dma_start3A_159 : memref<8x1024xf32, #tpu.memory_space<hbm>>) target_semaphore(%arg15 : memref<!tpu.dma_semaphore, #tpu.memory_space<semaphore_mem>>)
      %add3A_164 = arith.constant 1 : i32
      %add3A_165 = arith.addi %add3A_107, %add3A_164 : i32
      %add3A_166 = arith.constant 2 : i32
      %add3A_167 = arith.addi %add3A_165, %add3A_166 : i32
      %sub3A_168 = arith.constant 1 : i32
      %sub3A_169 = arith.subi %add3A_167, %sub3A_168 : i32
      %lt3A_170 = arith.constant 100 : i32
      %lt3A_171 = arith.cmpi slt, %sub3A_169, %lt3A_170 : i32
      %convert_element_type3A_172 = arith.extui %lt3A_171 : i1 to i32
      %cond3A_173 = arith.constant 0 : i32
      %cond3A_174 = arith.cmpi ne, %convert_element_type3A_172, %cond3A_173 : i32
      scf.if %cond3A_174 {
        %ge3A = arith.constant 1 : i32
        %ge3A_223 = arith.cmpi sge, %add3A_165, %ge3A : i32
        %convert_element_type3A_224 = arith.extui %ge3A_223 : i1 to i32
        %cond3A_225 = arith.constant 0 : i32
        %cond3A_226 = arith.cmpi ne, %convert_element_type3A_224, %cond3A_225 : i32
        scf.if %cond3A_226 {
          %sub3A_239 = arith.constant 1 : i32
          %sub3A_240 = arith.subi %add3A_165, %sub3A_239 : i32
          %mul3A_241 = arith.constant 2 : i32
          %mul3A_242 = arith.muli %sub3A_240, %mul3A_241 : i32
          %add3A_243 = arith.constant 0 : i32
          %add3A_244 = arith.addi %mul3A_242, %add3A_243 : i32
          %dma_wait3A_245 = arith.constant 0 : i32
          %dma_wait3A_246 = arith.constant 0 : i32
          %dma_wait3A_247 = arith.constant 0 : i32
          %dma_wait3A_248 = tpu.memref_slice %arg7[%dma_wait3A_245, %dma_wait3A_246, %dma_wait3A_247] : memref<2x8x1024xf32, #tpu.memory_space<vmem>> -> memref<1x8x1024xf32, #tpu.memory_space<vmem>>
          %dma_wait3A_249 = tpu.memref_squeeze %dma_wait3A_248 : memref<1x8x1024xf32, #tpu.memory_space<vmem>> -> memref<8x1024xf32, #tpu.memory_space<vmem>>
          %dma_wait3A_250 = tpu.memref_slice %arg5[%add3A_244, %mul3A_11, %mul3A_34] : memref<200x64x4096xf32, #tpu.memory_space<hbm>> -> memref<1x8x1024xf32, #tpu.memory_space<hbm>>
          %dma_wait3A_251 = tpu.memref_squeeze %dma_wait3A_250 : memref<1x8x1024xf32, #tpu.memory_space<hbm>> -> memref<8x1024xf32, #tpu.memory_space<hbm>>
          %dma_wait3A_252 = tpu.memref_slice %arg5[%add3A_244, %mul3A_11, %mul3A_34] : memref<200x64x4096xf32, #tpu.memory_space<hbm>> -> memref<1x8x1024xf32, #tpu.memory_space<hbm>>
          %dma_wait3A_253 = tpu.memref_squeeze %dma_wait3A_252 : memref<1x8x1024xf32, #tpu.memory_space<hbm>> -> memref<8x1024xf32, #tpu.memory_space<hbm>>
          %dma_wait3A_254 = arith.constant 0 : i32
          %dma_wait3A_255 = arith.constant 0 : i32
          %dma_wait3A_256 = tpu.memref_slice %arg7[%dma_wait3A_245, %dma_wait3A_254, %dma_wait3A_255] : memref<2x8x1024xf32, #tpu.memory_space<vmem>> -> memref<1x8x1024xf32, #tpu.memory_space<vmem>>
          %dma_wait3A_257 = tpu.memref_squeeze %dma_wait3A_256 : memref<1x8x1024xf32, #tpu.memory_space<vmem>> -> memref<8x1024xf32, #tpu.memory_space<vmem>>
          tpu.wait_dma2 semaphore(%arg15 : memref<!tpu.dma_semaphore, #tpu.memory_space<semaphore_mem>>) src(%dma_wait3A_257 : memref<8x1024xf32, #tpu.memory_space<vmem>>) dst(%dma_wait3A_253 : memref<8x1024xf32, #tpu.memory_space<hbm>>)
          %mul3A_258 = arith.constant 2 : i32
          %mul3A_259 = arith.muli %sub3A_240, %mul3A_258 : i32
          %add3A_260 = arith.constant 1 : i32
          %add3A_261 = arith.addi %mul3A_259, %add3A_260 : i32
          %dma_wait3A_262 = arith.constant 1 : i32
          %dma_wait3A_263 = arith.constant 0 : i32
          %dma_wait3A_264 = arith.constant 0 : i32
          %dma_wait3A_265 = tpu.memref_slice %arg7[%dma_wait3A_262, %dma_wait3A_263, %dma_wait3A_264] : memref<2x8x1024xf32, #tpu.memory_space<vmem>> -> memref<1x8x1024xf32, #tpu.memory_space<vmem>>
          %dma_wait3A_266 = tpu.memref_squeeze %dma_wait3A_265 : memref<1x8x1024xf32, #tpu.memory_space<vmem>> -> memref<8x1024xf32, #tpu.memory_space<vmem>>
          %dma_wait3A_267 = tpu.memref_slice %arg5[%add3A_261, %mul3A_11, %mul3A_34] : memref<200x64x4096xf32, #tpu.memory_space<hbm>> -> memref<1x8x1024xf32, #tpu.memory_space<hbm>>
          %dma_wait3A_268 = tpu.memref_squeeze %dma_wait3A_267 : memref<1x8x1024xf32, #tpu.memory_space<hbm>> -> memref<8x1024xf32, #tpu.memory_space<hbm>>
          %dma_wait3A_269 = tpu.memref_slice %arg5[%add3A_261, %mul3A_11, %mul3A_34] : memref<200x64x4096xf32, #tpu.memory_space<hbm>> -> memref<1x8x1024xf32, #tpu.memory_space<hbm>>
          %dma_wait3A_270 = tpu.memref_squeeze %dma_wait3A_269 : memref<1x8x1024xf32, #tpu.memory_space<hbm>> -> memref<8x1024xf32, #tpu.memory_space<hbm>>
          %dma_wait3A_271 = arith.constant 0 : i32
          %dma_wait3A_272 = arith.constant 0 : i32
          %dma_wait3A_273 = tpu.memref_slice %arg7[%dma_wait3A_262, %dma_wait3A_271, %dma_wait3A_272] : memref<2x8x1024xf32, #tpu.memory_space<vmem>> -> memref<1x8x1024xf32, #tpu.memory_space<vmem>>
          %dma_wait3A_274 = tpu.memref_squeeze %dma_wait3A_273 : memref<1x8x1024xf32, #tpu.memory_space<vmem>> -> memref<8x1024xf32, #tpu.memory_space<vmem>>
          tpu.wait_dma2 semaphore(%arg15 : memref<!tpu.dma_semaphore, #tpu.memory_space<semaphore_mem>>) src(%dma_wait3A_274 : memref<8x1024xf32, #tpu.memory_space<vmem>>) dst(%dma_wait3A_270 : memref<8x1024xf32, #tpu.memory_space<hbm>>)
        } else {
        }
        %add3A_227 = arith.constant 2 : i32
        %add3A_228 = arith.addi %add3A_165, %add3A_227 : i32
        %sub3A_229 = arith.constant 1 : i32
        %sub3A_230 = arith.subi %add3A_228, %sub3A_229 : i32
        %mul3A_231 = arith.constant 2 : i32
        %mul3A_232 = arith.muli %sub3A_230, %mul3A_231 : i32
        %dma_start3A_233 = tpu.memref_slice %arg2[%mul3A_232, %mul3A_11, %mul3A_34] : memref<200x64x4096xf32, #tpu.memory_space<hbm>> -> memref<2x8x1024xf32, #tpu.memory_space<hbm>>
        %dma_start3A_234 = tpu.memref_slice %arg2[%mul3A_232, %mul3A_11, %mul3A_34] : memref<200x64x4096xf32, #tpu.memory_space<hbm>> -> memref<2x8x1024xf32, #tpu.memory_space<hbm>>
        tpu.enqueue_dma source(%dma_start3A_234 : memref<2x8x1024xf32, #tpu.memory_space<hbm>>) target(%arg7 : memref<2x8x1024xf32, #tpu.memory_space<vmem>>) target_semaphore(%arg11 : memref<!tpu.dma_semaphore, #tpu.memory_space<semaphore_mem>>)
        %mul3A_235 = arith.constant 2 : i32
        %mul3A_236 = arith.muli %sub3A_230, %mul3A_235 : i32
        %dma_start3A_237 = tpu.memref_slice %arg3[%mul3A_236, %mul3A_34] : memref<200x4096xi32, #tpu.memory_space<hbm>> -> memref<2x1024xi32, #tpu.memory_space<hbm>>
        %dma_start3A_238 = tpu.memref_slice %arg3[%mul3A_236, %mul3A_34] : memref<200x4096xi32, #tpu.memory_space<hbm>> -> memref<2x1024xi32, #tpu.memory_space<hbm>>
        tpu.enqueue_dma source(%dma_start3A_238 : memref<2x1024xi32, #tpu.memory_space<hbm>>) target(%arg9 : memref<2x1024xi32, #tpu.memory_space<vmem>>) target_semaphore(%arg13 : memref<!tpu.dma_semaphore, #tpu.memory_space<semaphore_mem>>)
      } else {
      }
      %mul3A_175 = arith.constant 2 : i32
      %mul3A_176 = arith.muli %add3A_165, %mul3A_175 : i32
      %dma_wait3A_177 = tpu.memref_slice %arg2[%mul3A_176, %mul3A_11, %mul3A_34] : memref<200x64x4096xf32, #tpu.memory_space<hbm>> -> memref<2x8x1024xf32, #tpu.memory_space<hbm>>
      %dma_wait3A_178 = tpu.memref_slice %arg2[%mul3A_176, %mul3A_11, %mul3A_34] : memref<200x64x4096xf32, #tpu.memory_space<hbm>> -> memref<2x8x1024xf32, #tpu.memory_space<hbm>>
      tpu.wait_dma2 semaphore(%arg12 : memref<!tpu.dma_semaphore, #tpu.memory_space<semaphore_mem>>) src(%dma_wait3A_178 : memref<2x8x1024xf32, #tpu.memory_space<hbm>>) dst(%arg8 : memref<2x8x1024xf32, #tpu.memory_space<vmem>>)
      %mul3A_179 = arith.constant 2 : i32
      %mul3A_180 = arith.muli %add3A_165, %mul3A_179 : i32
      %dma_wait3A_181 = tpu.memref_slice %arg3[%mul3A_180, %mul3A_34] : memref<200x4096xi32, #tpu.memory_space<hbm>> -> memref<2x1024xi32, #tpu.memory_space<hbm>>
      %dma_wait3A_182 = tpu.memref_slice %arg3[%mul3A_180, %mul3A_34] : memref<200x4096xi32, #tpu.memory_space<hbm>> -> memref<2x1024xi32, #tpu.memory_space<hbm>>
      tpu.wait_dma2 semaphore(%arg14 : memref<!tpu.dma_semaphore, #tpu.memory_space<semaphore_mem>>) src(%dma_wait3A_182 : memref<2x1024xi32, #tpu.memory_space<hbm>>) dst(%arg10 : memref<2x1024xi32, #tpu.memory_space<vmem>>)
      %parallel_loop3A_183 = arith.constant 0 : i32
      %parallel_loop3A_184 = arith.constant 64 : i32
      %parallel_loop3A_185 = arith.constant 1 : i32
      scf.for %parallel_loop3A_223 = %parallel_loop3A_183 to %parallel_loop3A_184 step %parallel_loop3A_185  : i32 {
        %parallel_loop3A_224 = arith.constant 16 : i32
        %parallel_loop3A_225 = arith.muli %parallel_loop3A_223, %parallel_loop3A_224 : i32
        %parallel_loop3A_226 = arith.constant 0 : i32
        %parallel_loop3A_227 = arith.index_cast %parallel_loop3A_226 : i32 to index
        %parallel_loop3A_228 = arith.index_cast %parallel_loop3A_225 : i32 to index
        %parallel_loop3A_229 = tpu.vector_load %arg10[%parallel_loop3A_227, %parallel_loop3A_228] {strides = array<i32>} : memref<2x1024xi32, #tpu.memory_space<vmem>>, vector<16xi32>,
        %parallel_loop3A_230 = arith.constant 7 : i32
        %parallel_loop3A_231 = vector.broadcast %parallel_loop3A_230 : i32 to vector<16xi32>
        %parallel_loop3A_232 = arith.shrsi %parallel_loop3A_229, %parallel_loop3A_231 : vector<16xi32>
        %parallel_loop3A_233 = arith.constant 10 : i32
        %parallel_loop3A_234 = vector.broadcast %parallel_loop3A_233 : i32 to vector<16xi32>
        %parallel_loop3A_235 = arith.shli %parallel_loop3A_232, %parallel_loop3A_234 : vector<16xi32>
        %parallel_loop3A_236 = arith.constant 127 : i32
        %parallel_loop3A_237 = vector.broadcast %parallel_loop3A_236 : i32 to vector<16xi32>
        %parallel_loop3A_238 = arith.andi %parallel_loop3A_229, %parallel_loop3A_237 : vector<16xi32>
        %parallel_loop3A_239 = arith.addi %parallel_loop3A_235, %parallel_loop3A_238 : vector<16xi32>
        %parallel_loop3A_240 = arith.constant 0 : i32
        %parallel_loop3A_241 = tpu.memref_slice %arg6[%parallel_loop3A_240] : memref<80896xf32, #tpu.memory_space<vmem>> -> memref<80000xf32, #tpu.memory_space<vmem>>
        %parallel_loop3A_242 = tpu.vector_load_idx %parallel_loop3A_241[%parallel_loop3A_239] : memref<80000xf32, #tpu.memory_space<vmem>>[vector<16xi32>], vector<16xf32>,
        %parallel_loop3A_243 = arith.constant 0 : i32
        %parallel_loop3A_244 = arith.constant 0 : i32
        %parallel_loop3A_245 = arith.index_cast %parallel_loop3A_243 : i32 to index
        %parallel_loop3A_246 = arith.index_cast %parallel_loop3A_244 : i32 to index
        %parallel_loop3A_247 = arith.index_cast %parallel_loop3A_225 : i32 to index
        %parallel_loop3A_248 = tpu.vector_load %arg8[%parallel_loop3A_245, %parallel_loop3A_246, %parallel_loop3A_247] {strides = array<i32>} : memref<2x8x1024xf32, #tpu.memory_space<vmem>>, vector<16xf32>,
        tpu.vector_store %arg8[%parallel_loop3A_245, %parallel_loop3A_246, %parallel_loop3A_247], %parallel_loop3A_242 {add = true, strides = array<i32>} : memref<2x8x1024xf32, #tpu.memory_space<vmem>>, vector<16xf32>,
        %parallel_loop3A_249 = arith.constant 128 : i32
        %parallel_loop3A_250 = tpu.memref_slice %arg6[%parallel_loop3A_249] : memref<80896xf32, #tpu.memory_space<vmem>> -> memref<80000xf32, #tpu.memory_space<vmem>>
        %parallel_loop3A_251 = tpu.vector_load_idx %parallel_loop3A_250[%parallel_loop3A_239] : memref<80000xf32, #tpu.memory_space<vmem>>[vector<16xi32>], vector<16xf32>,
        %parallel_loop3A_252 = arith.constant 0 : i32
        %parallel_loop3A_253 = arith.constant 1 : i32
        %parallel_loop3A_254 = arith.index_cast %parallel_loop3A_252 : i32 to index
        %parallel_loop3A_255 = arith.index_cast %parallel_loop3A_253 : i32 to index
        %parallel_loop3A_256 = arith.index_cast %parallel_loop3A_225 : i32 to index
        %parallel_loop3A_257 = tpu.vector_load %arg8[%parallel_loop3A_254, %parallel_loop3A_255, %parallel_loop3A_256] {strides = array<i32>} : memref<2x8x1024xf32, #tpu.memory_space<vmem>>, vector<16xf32>,
        tpu.vector_store %arg8[%parallel_loop3A_254, %parallel_loop3A_255, %parallel_loop3A_256], %parallel_loop3A_251 {add = true, strides = array<i32>} : memref<2x8x1024xf32, #tpu.memory_space<vmem>>, vector<16xf32>,
        %parallel_loop3A_258 = arith.constant 256 : i32
        %parallel_loop3A_259 = tpu.memref_slice %arg6[%parallel_loop3A_258] : memref<80896xf32, #tpu.memory_space<vmem>> -> memref<80000xf32, #tpu.memory_space<vmem>>
        %parallel_loop3A_260 = tpu.vector_load_idx %parallel_loop3A_259[%parallel_loop3A_239] : memref<80000xf32, #tpu.memory_space<vmem>>[vector<16xi32>], vector<16xf32>,
        %parallel_loop3A_261 = arith.constant 0 : i32
        %parallel_loop3A_262 = arith.constant 2 : i32
        %parallel_loop3A_263 = arith.index_cast %parallel_loop3A_261 : i32 to index
        %parallel_loop3A_264 = arith.index_cast %parallel_loop3A_262 : i32 to index
        %parallel_loop3A_265 = arith.index_cast %parallel_loop3A_225 : i32 to index
        %parallel_loop3A_266 = tpu.vector_load %arg8[%parallel_loop3A_263, %parallel_loop3A_264, %parallel_loop3A_265] {strides = array<i32>} : memref<2x8x1024xf32, #tpu.memory_space<vmem>>, vector<16xf32>,
        tpu.vector_store %arg8[%parallel_loop3A_263, %parallel_loop3A_264, %parallel_loop3A_265], %parallel_loop3A_260 {add = true, strides = array<i32>} : memref<2x8x1024xf32, #tpu.memory_space<vmem>>, vector<16xf32>,
        %parallel_loop3A_267 = arith.constant 384 : i32
        %parallel_loop3A_268 = tpu.memref_slice %arg6[%parallel_loop3A_267] : memref<80896xf32, #tpu.memory_space<vmem>> -> memref<80000xf32, #tpu.memory_space<vmem>>
        %parallel_loop3A_269 = tpu.vector_load_idx %parallel_loop3A_268[%parallel_loop3A_239] : memref<80000xf32, #tpu.memory_space<vmem>>[vector<16xi32>], vector<16xf32>,
        %parallel_loop3A_270 = arith.constant 0 : i32
        %parallel_loop3A_271 = arith.constant 3 : i32
        %parallel_loop3A_272 = arith.index_cast %parallel_loop3A_270 : i32 to index
        %parallel_loop3A_273 = arith.index_cast %parallel_loop3A_271 : i32 to index
        %parallel_loop3A_274 = arith.index_cast %parallel_loop3A_225 : i32 to index
        %parallel_loop3A_275 = tpu.vector_load %arg8[%parallel_loop3A_272, %parallel_loop3A_273, %parallel_loop3A_274] {strides = array<i32>} : memref<2x8x1024xf32, #tpu.memory_space<vmem>>, vector<16xf32>,
        tpu.vector_store %arg8[%parallel_loop3A_272, %parallel_loop3A_273, %parallel_loop3A_274], %parallel_loop3A_269 {add = true, strides = array<i32>} : memref<2x8x1024xf32, #tpu.memory_space<vmem>>, vector<16xf32>,
        %parallel_loop3A_276 = arith.constant 512 : i32
        %parallel_loop3A_277 = tpu.memref_slice %arg6[%parallel_loop3A_276] : memref<80896xf32, #tpu.memory_space<vmem>> -> memref<80000xf32, #tpu.memory_space<vmem>>
        %parallel_loop3A_278 = tpu.vector_load_idx %parallel_loop3A_277[%parallel_loop3A_239] : memref<80000xf32, #tpu.memory_space<vmem>>[vector<16xi32>], vector<16xf32>,
        %parallel_loop3A_279 = arith.constant 0 : i32
        %parallel_loop3A_280 = arith.constant 4 : i32
        %parallel_loop3A_281 = arith.index_cast %parallel_loop3A_279 : i32 to index
        %parallel_loop3A_282 = arith.index_cast %parallel_loop3A_280 : i32 to index
        %parallel_loop3A_283 = arith.index_cast %parallel_loop3A_225 : i32 to index
        %parallel_loop3A_284 = tpu.vector_load %arg8[%parallel_loop3A_281, %parallel_loop3A_282, %parallel_loop3A_283] {strides = array<i32>} : memref<2x8x1024xf32, #tpu.memory_space<vmem>>, vector<16xf32>,
        tpu.vector_store %arg8[%parallel_loop3A_281, %parallel_loop3A_282, %parallel_loop3A_283], %parallel_loop3A_278 {add = true, strides = array<i32>} : memref<2x8x1024xf32, #tpu.memory_space<vmem>>, vector<16xf32>,
        %parallel_loop3A_285 = arith.constant 640 : i32
        %parallel_loop3A_286 = tpu.memref_slice %arg6[%parallel_loop3A_285] : memref<80896xf32, #tpu.memory_space<vmem>> -> memref<80000xf32, #tpu.memory_space<vmem>>
        %parallel_loop3A_287 = tpu.vector_load_idx %parallel_loop3A_286[%parallel_loop3A_239] : memref<80000xf32, #tpu.memory_space<vmem>>[vector<16xi32>], vector<16xf32>,
        %parallel_loop3A_288 = arith.constant 0 : i32
        %parallel_loop3A_289 = arith.constant 5 : i32
        %parallel_loop3A_290 = arith.index_cast %parallel_loop3A_288 : i32 to index
        %parallel_loop3A_291 = arith.index_cast %parallel_loop3A_289 : i32 to index
        %parallel_loop3A_292 = arith.index_cast %parallel_loop3A_225 : i32 to index
        %parallel_loop3A_293 = tpu.vector_load %arg8[%parallel_loop3A_290, %parallel_loop3A_291, %parallel_loop3A_292] {strides = array<i32>} : memref<2x8x1024xf32, #tpu.memory_space<vmem>>, vector<16xf32>,
        tpu.vector_store %arg8[%parallel_loop3A_290, %parallel_loop3A_291, %parallel_loop3A_292], %parallel_loop3A_287 {add = true, strides = array<i32>} : memref<2x8x1024xf32, #tpu.memory_space<vmem>>, vector<16xf32>,
        %parallel_loop3A_294 = arith.constant 768 : i32
        %parallel_loop3A_295 = tpu.memref_slice %arg6[%parallel_loop3A_294] : memref<80896xf32, #tpu.memory_space<vmem>> -> memref<80000xf32, #tpu.memory_space<vmem>>
        %parallel_loop3A_296 = tpu.vector_load_idx %parallel_loop3A_295[%parallel_loop3A_239] : memref<80000xf32, #tpu.memory_space<vmem>>[vector<16xi32>], vector<16xf32>,
        %parallel_loop3A_297 = arith.constant 0 : i32
        %parallel_loop3A_298 = arith.constant 6 : i32
        %parallel_loop3A_299 = arith.index_cast %parallel_loop3A_297 : i32 to index
        %parallel_loop3A_300 = arith.index_cast %parallel_loop3A_298 : i32 to index
        %parallel_loop3A_301 = arith.index_cast %parallel_loop3A_225 : i32 to index
        %parallel_loop3A_302 = tpu.vector_load %arg8[%parallel_loop3A_299, %parallel_loop3A_300, %parallel_loop3A_301] {strides = array<i32>} : memref<2x8x1024xf32, #tpu.memory_space<vmem>>, vector<16xf32>,
        tpu.vector_store %arg8[%parallel_loop3A_299, %parallel_loop3A_300, %parallel_loop3A_301], %parallel_loop3A_296 {add = true, strides = array<i32>} : memref<2x8x1024xf32, #tpu.memory_space<vmem>>, vector<16xf32>,
        %parallel_loop3A_303 = arith.constant 896 : i32
        %parallel_loop3A_304 = tpu.memref_slice %arg6[%parallel_loop3A_303] : memref<80896xf32, #tpu.memory_space<vmem>> -> memref<80000xf32, #tpu.memory_space<vmem>>
        %parallel_loop3A_305 = tpu.vector_load_idx %parallel_loop3A_304[%parallel_loop3A_239] : memref<80000xf32, #tpu.memory_space<vmem>>[vector<16xi32>], vector<16xf32>,
        %parallel_loop3A_306 = arith.constant 0 : i32
        %parallel_loop3A_307 = arith.constant 7 : i32
        %parallel_loop3A_308 = arith.index_cast %parallel_loop3A_306 : i32 to index
        %parallel_loop3A_309 = arith.index_cast %parallel_loop3A_307 : i32 to index
        %parallel_loop3A_310 = arith.index_cast %parallel_loop3A_225 : i32 to index
        %parallel_loop3A_311 = tpu.vector_load %arg8[%parallel_loop3A_308, %parallel_loop3A_309, %parallel_loop3A_310] {strides = array<i32>} : memref<2x8x1024xf32, #tpu.memory_space<vmem>>, vector<16xf32>,
        tpu.vector_store %arg8[%parallel_loop3A_308, %parallel_loop3A_309, %parallel_loop3A_310], %parallel_loop3A_305 {add = true, strides = array<i32>} : memref<2x8x1024xf32, #tpu.memory_space<vmem>>, vector<16xf32>,
      } {sc.loop_unroll_factor = 8 : i64, sc.parallel_access}
      %mul3A_186 = arith.constant 2 : i32
      %mul3A_187 = arith.muli %add3A_165, %mul3A_186 : i32
      %add3A_188 = arith.constant 0 : i32
      %add3A_189 = arith.addi %mul3A_187, %add3A_188 : i32
      %dma_start3A_190 = arith.constant 0 : i32
      %dma_start3A_191 = arith.constant 0 : i32
      %dma_start3A_192 = arith.constant 0 : i32
      %dma_start3A_193 = tpu.memref_slice %arg8[%dma_start3A_190, %dma_start3A_191, %dma_start3A_192] : memref<2x8x1024xf32, #tpu.memory_space<vmem>> -> memref<1x8x1024xf32, #tpu.memory_space<vmem>>
      %dma_start3A_194 = tpu.memref_squeeze %dma_start3A_193 : memref<1x8x1024xf32, #tpu.memory_space<vmem>> -> memref<8x1024xf32, #tpu.memory_space<vmem>>
      %dma_start3A_195 = tpu.memref_slice %arg5[%add3A_189, %mul3A_11, %mul3A_34] : memref<200x64x4096xf32, #tpu.memory_space<hbm>> -> memref<1x8x1024xf32, #tpu.memory_space<hbm>>
      %dma_start3A_196 = tpu.memref_squeeze %dma_start3A_195 : memref<1x8x1024xf32, #tpu.memory_space<hbm>> -> memref<8x1024xf32, #tpu.memory_space<hbm>>
      %dma_start3A_197 = tpu.memref_slice %arg5[%add3A_189, %mul3A_11, %mul3A_34] : memref<200x64x4096xf32, #tpu.memory_space<hbm>> -> memref<1x8x1024xf32, #tpu.memory_space<hbm>>
      %dma_start3A_198 = tpu.memref_squeeze %dma_start3A_197 : memref<1x8x1024xf32, #tpu.memory_space<hbm>> -> memref<8x1024xf32, #tpu.memory_space<hbm>>
      %dma_start3A_199 = arith.constant 0 : i32
      %dma_start3A_200 = arith.constant 0 : i32
      %dma_start3A_201 = tpu.memref_slice %arg8[%dma_start3A_190, %dma_start3A_199, %dma_start3A_200] : memref<2x8x1024xf32, #tpu.memory_space<vmem>> -> memref<1x8x1024xf32, #tpu.memory_space<vmem>>
      %dma_start3A_202 = tpu.memref_squeeze %dma_start3A_201 : memref<1x8x1024xf32, #tpu.memory_space<vmem>> -> memref<8x1024xf32, #tpu.memory_space<vmem>>
      tpu.enqueue_dma source(%dma_start3A_202 : memref<8x1024xf32, #tpu.memory_space<vmem>>) target(%dma_start3A_198 : memref<8x1024xf32, #tpu.memory_space<hbm>>) target_semaphore(%arg16 : memref<!tpu.dma_semaphore, #tpu.memory_space<semaphore_mem>>)
      %parallel_loop3A_203 = arith.constant 0 : i32
      %parallel_loop3A_204 = arith.constant 64 : i32
      %parallel_loop3A_205 = arith.constant 1 : i32
      scf.for %parallel_loop3A_223 = %parallel_loop3A_203 to %parallel_loop3A_204 step %parallel_loop3A_205  : i32 {
        %parallel_loop3A_224 = arith.constant 16 : i32
        %parallel_loop3A_225 = arith.muli %parallel_loop3A_223, %parallel_loop3A_224 : i32
        %parallel_loop3A_226 = arith.constant 1 : i32
        %parallel_loop3A_227 = arith.index_cast %parallel_loop3A_226 : i32 to index
        %parallel_loop3A_228 = arith.index_cast %parallel_loop3A_225 : i32 to index
        %parallel_loop3A_229 = tpu.vector_load %arg10[%parallel_loop3A_227, %parallel_loop3A_228] {strides = array<i32>} : memref<2x1024xi32, #tpu.memory_space<vmem>>, vector<16xi32>,
        %parallel_loop3A_230 = arith.constant 7 : i32
        %parallel_loop3A_231 = vector.broadcast %parallel_loop3A_230 : i32 to vector<16xi32>
        %parallel_loop3A_232 = arith.shrsi %parallel_loop3A_229, %parallel_loop3A_231 : vector<16xi32>
        %parallel_loop3A_233 = arith.constant 10 : i32
        %parallel_loop3A_234 = vector.broadcast %parallel_loop3A_233 : i32 to vector<16xi32>
        %parallel_loop3A_235 = arith.shli %parallel_loop3A_232, %parallel_loop3A_234 : vector<16xi32>
        %parallel_loop3A_236 = arith.constant 127 : i32
        %parallel_loop3A_237 = vector.broadcast %parallel_loop3A_236 : i32 to vector<16xi32>
        %parallel_loop3A_238 = arith.andi %parallel_loop3A_229, %parallel_loop3A_237 : vector<16xi32>
        %parallel_loop3A_239 = arith.addi %parallel_loop3A_235, %parallel_loop3A_238 : vector<16xi32>
        %parallel_loop3A_240 = arith.constant 0 : i32
        %parallel_loop3A_241 = tpu.memref_slice %arg6[%parallel_loop3A_240] : memref<80896xf32, #tpu.memory_space<vmem>> -> memref<80000xf32, #tpu.memory_space<vmem>>
        %parallel_loop3A_242 = tpu.vector_load_idx %parallel_loop3A_241[%parallel_loop3A_239] : memref<80000xf32, #tpu.memory_space<vmem>>[vector<16xi32>], vector<16xf32>,
        %parallel_loop3A_243 = arith.constant 1 : i32
        %parallel_loop3A_244 = arith.constant 0 : i32
        %parallel_loop3A_245 = arith.index_cast %parallel_loop3A_243 : i32 to index
        %parallel_loop3A_246 = arith.index_cast %parallel_loop3A_244 : i32 to index
        %parallel_loop3A_247 = arith.index_cast %parallel_loop3A_225 : i32 to index
        %parallel_loop3A_248 = tpu.vector_load %arg8[%parallel_loop3A_245, %parallel_loop3A_246, %parallel_loop3A_247] {strides = array<i32>} : memref<2x8x1024xf32, #tpu.memory_space<vmem>>, vector<16xf32>,
        tpu.vector_store %arg8[%parallel_loop3A_245, %parallel_loop3A_246, %parallel_loop3A_247], %parallel_loop3A_242 {add = true, strides = array<i32>} : memref<2x8x1024xf32, #tpu.memory_space<vmem>>, vector<16xf32>,
        %parallel_loop3A_249 = arith.constant 128 : i32
        %parallel_loop3A_250 = tpu.memref_slice %arg6[%parallel_loop3A_249] : memref<80896xf32, #tpu.memory_space<vmem>> -> memref<80000xf32, #tpu.memory_space<vmem>>
        %parallel_loop3A_251 = tpu.vector_load_idx %parallel_loop3A_250[%parallel_loop3A_239] : memref<80000xf32, #tpu.memory_space<vmem>>[vector<16xi32>], vector<16xf32>,
        %parallel_loop3A_252 = arith.constant 1 : i32
        %parallel_loop3A_253 = arith.constant 1 : i32
        %parallel_loop3A_254 = arith.index_cast %parallel_loop3A_252 : i32 to index
        %parallel_loop3A_255 = arith.index_cast %parallel_loop3A_253 : i32 to index
        %parallel_loop3A_256 = arith.index_cast %parallel_loop3A_225 : i32 to index
        %parallel_loop3A_257 = tpu.vector_load %arg8[%parallel_loop3A_254, %parallel_loop3A_255, %parallel_loop3A_256] {strides = array<i32>} : memref<2x8x1024xf32, #tpu.memory_space<vmem>>, vector<16xf32>,
        tpu.vector_store %arg8[%parallel_loop3A_254, %parallel_loop3A_255, %parallel_loop3A_256], %parallel_loop3A_251 {add = true, strides = array<i32>} : memref<2x8x1024xf32, #tpu.memory_space<vmem>>, vector<16xf32>,
        %parallel_loop3A_258 = arith.constant 256 : i32
        %parallel_loop3A_259 = tpu.memref_slice %arg6[%parallel_loop3A_258] : memref<80896xf32, #tpu.memory_space<vmem>> -> memref<80000xf32, #tpu.memory_space<vmem>>
        %parallel_loop3A_260 = tpu.vector_load_idx %parallel_loop3A_259[%parallel_loop3A_239] : memref<80000xf32, #tpu.memory_space<vmem>>[vector<16xi32>], vector<16xf32>,
        %parallel_loop3A_261 = arith.constant 1 : i32
        %parallel_loop3A_262 = arith.constant 2 : i32
        %parallel_loop3A_263 = arith.index_cast %parallel_loop3A_261 : i32 to index
        %parallel_loop3A_264 = arith.index_cast %parallel_loop3A_262 : i32 to index
        %parallel_loop3A_265 = arith.index_cast %parallel_loop3A_225 : i32 to index
        %parallel_loop3A_266 = tpu.vector_load %arg8[%parallel_loop3A_263, %parallel_loop3A_264, %parallel_loop3A_265] {strides = array<i32>} : memref<2x8x1024xf32, #tpu.memory_space<vmem>>, vector<16xf32>,
        tpu.vector_store %arg8[%parallel_loop3A_263, %parallel_loop3A_264, %parallel_loop3A_265], %parallel_loop3A_260 {add = true, strides = array<i32>} : memref<2x8x1024xf32, #tpu.memory_space<vmem>>, vector<16xf32>,
        %parallel_loop3A_267 = arith.constant 384 : i32
        %parallel_loop3A_268 = tpu.memref_slice %arg6[%parallel_loop3A_267] : memref<80896xf32, #tpu.memory_space<vmem>> -> memref<80000xf32, #tpu.memory_space<vmem>>
        %parallel_loop3A_269 = tpu.vector_load_idx %parallel_loop3A_268[%parallel_loop3A_239] : memref<80000xf32, #tpu.memory_space<vmem>>[vector<16xi32>], vector<16xf32>,
        %parallel_loop3A_270 = arith.constant 1 : i32
        %parallel_loop3A_271 = arith.constant 3 : i32
        %parallel_loop3A_272 = arith.index_cast %parallel_loop3A_270 : i32 to index
        %parallel_loop3A_273 = arith.index_cast %parallel_loop3A_271 : i32 to index
        %parallel_loop3A_274 = arith.index_cast %parallel_loop3A_225 : i32 to index
        %parallel_loop3A_275 = tpu.vector_load %arg8[%parallel_loop3A_272, %parallel_loop3A_273, %parallel_loop3A_274] {strides = array<i32>} : memref<2x8x1024xf32, #tpu.memory_space<vmem>>, vector<16xf32>,
        tpu.vector_store %arg8[%parallel_loop3A_272, %parallel_loop3A_273, %parallel_loop3A_274], %parallel_loop3A_269 {add = true, strides = array<i32>} : memref<2x8x1024xf32, #tpu.memory_space<vmem>>, vector<16xf32>,
        %parallel_loop3A_276 = arith.constant 512 : i32
        %parallel_loop3A_277 = tpu.memref_slice %arg6[%parallel_loop3A_276] : memref<80896xf32, #tpu.memory_space<vmem>> -> memref<80000xf32, #tpu.memory_space<vmem>>
        %parallel_loop3A_278 = tpu.vector_load_idx %parallel_loop3A_277[%parallel_loop3A_239] : memref<80000xf32, #tpu.memory_space<vmem>>[vector<16xi32>], vector<16xf32>,
        %parallel_loop3A_279 = arith.constant 1 : i32
        %parallel_loop3A_280 = arith.constant 4 : i32
        %parallel_loop3A_281 = arith.index_cast %parallel_loop3A_279 : i32 to index
        %parallel_loop3A_282 = arith.index_cast %parallel_loop3A_280 : i32 to index
        %parallel_loop3A_283 = arith.index_cast %parallel_loop3A_225 : i32 to index
        %parallel_loop3A_284 = tpu.vector_load %arg8[%parallel_loop3A_281, %parallel_loop3A_282, %parallel_loop3A_283] {strides = array<i32>} : memref<2x8x1024xf32, #tpu.memory_space<vmem>>, vector<16xf32>,
        tpu.vector_store %arg8[%parallel_loop3A_281, %parallel_loop3A_282, %parallel_loop3A_283], %parallel_loop3A_278 {add = true, strides = array<i32>} : memref<2x8x1024xf32, #tpu.memory_space<vmem>>, vector<16xf32>,
        %parallel_loop3A_285 = arith.constant 640 : i32
        %parallel_loop3A_286 = tpu.memref_slice %arg6[%parallel_loop3A_285] : memref<80896xf32, #tpu.memory_space<vmem>> -> memref<80000xf32, #tpu.memory_space<vmem>>
        %parallel_loop3A_287 = tpu.vector_load_idx %parallel_loop3A_286[%parallel_loop3A_239] : memref<80000xf32, #tpu.memory_space<vmem>>[vector<16xi32>], vector<16xf32>,
        %parallel_loop3A_288 = arith.constant 1 : i32
        %parallel_loop3A_289 = arith.constant 5 : i32
        %parallel_loop3A_290 = arith.index_cast %parallel_loop3A_288 : i32 to index
        %parallel_loop3A_291 = arith.index_cast %parallel_loop3A_289 : i32 to index
        %parallel_loop3A_292 = arith.index_cast %parallel_loop3A_225 : i32 to index
        %parallel_loop3A_293 = tpu.vector_load %arg8[%parallel_loop3A_290, %parallel_loop3A_291, %parallel_loop3A_292] {strides = array<i32>} : memref<2x8x1024xf32, #tpu.memory_space<vmem>>, vector<16xf32>,
        tpu.vector_store %arg8[%parallel_loop3A_290, %parallel_loop3A_291, %parallel_loop3A_292], %parallel_loop3A_287 {add = true, strides = array<i32>} : memref<2x8x1024xf32, #tpu.memory_space<vmem>>, vector<16xf32>,
        %parallel_loop3A_294 = arith.constant 768 : i32
        %parallel_loop3A_295 = tpu.memref_slice %arg6[%parallel_loop3A_294] : memref<80896xf32, #tpu.memory_space<vmem>> -> memref<80000xf32, #tpu.memory_space<vmem>>
        %parallel_loop3A_296 = tpu.vector_load_idx %parallel_loop3A_295[%parallel_loop3A_239] : memref<80000xf32, #tpu.memory_space<vmem>>[vector<16xi32>], vector<16xf32>,
        %parallel_loop3A_297 = arith.constant 1 : i32
        %parallel_loop3A_298 = arith.constant 6 : i32
        %parallel_loop3A_299 = arith.index_cast %parallel_loop3A_297 : i32 to index
        %parallel_loop3A_300 = arith.index_cast %parallel_loop3A_298 : i32 to index
        %parallel_loop3A_301 = arith.index_cast %parallel_loop3A_225 : i32 to index
        %parallel_loop3A_302 = tpu.vector_load %arg8[%parallel_loop3A_299, %parallel_loop3A_300, %parallel_loop3A_301] {strides = array<i32>} : memref<2x8x1024xf32, #tpu.memory_space<vmem>>, vector<16xf32>,
        tpu.vector_store %arg8[%parallel_loop3A_299, %parallel_loop3A_300, %parallel_loop3A_301], %parallel_loop3A_296 {add = true, strides = array<i32>} : memref<2x8x1024xf32, #tpu.memory_space<vmem>>, vector<16xf32>,
        %parallel_loop3A_303 = arith.constant 896 : i32
        %parallel_loop3A_304 = tpu.memref_slice %arg6[%parallel_loop3A_303] : memref<80896xf32, #tpu.memory_space<vmem>> -> memref<80000xf32, #tpu.memory_space<vmem>>
        %parallel_loop3A_305 = tpu.vector_load_idx %parallel_loop3A_304[%parallel_loop3A_239] : memref<80000xf32, #tpu.memory_space<vmem>>[vector<16xi32>], vector<16xf32>,
        %parallel_loop3A_306 = arith.constant 1 : i32
        %parallel_loop3A_307 = arith.constant 7 : i32
        %parallel_loop3A_308 = arith.index_cast %parallel_loop3A_306 : i32 to index
        %parallel_loop3A_309 = arith.index_cast %parallel_loop3A_307 : i32 to index
        %parallel_loop3A_310 = arith.index_cast %parallel_loop3A_225 : i32 to index
        %parallel_loop3A_311 = tpu.vector_load %arg8[%parallel_loop3A_308, %parallel_loop3A_309, %parallel_loop3A_310] {strides = array<i32>} : memref<2x8x1024xf32, #tpu.memory_space<vmem>>, vector<16xf32>,
        tpu.vector_store %arg8[%parallel_loop3A_308, %parallel_loop3A_309, %parallel_loop3A_310], %parallel_loop3A_305 {add = true, strides = array<i32>} : memref<2x8x1024xf32, #tpu.memory_space<vmem>>, vector<16xf32>,
      } {sc.loop_unroll_factor = 8 : i64, sc.parallel_access}
      %mul3A_206 = arith.constant 2 : i32
      %mul3A_207 = arith.muli %add3A_165, %mul3A_206 : i32
      %add3A_208 = arith.constant 1 : i32
      %add3A_209 = arith.addi %mul3A_207, %add3A_208 : i32
      %dma_start3A_210 = arith.constant 1 : i32
      %dma_start3A_211 = arith.constant 0 : i32
      %dma_start3A_212 = arith.constant 0 : i32
      %dma_start3A_213 = tpu.memref_slice %arg8[%dma_start3A_210, %dma_start3A_211, %dma_start3A_212] : memref<2x8x1024xf32, #tpu.memory_space<vmem>> -> memref<1x8x1024xf32, #tpu.memory_space<vmem>>
      %dma_start3A_214 = tpu.memref_squeeze %dma_start3A_213 : memref<1x8x1024xf32, #tpu.memory_space<vmem>> -> memref<8x1024xf32, #tpu.memory_space<vmem>>
      %dma_start3A_215 = tpu.memref_slice %arg5[%add3A_209, %mul3A_11, %mul3A_34] : memref<200x64x4096xf32, #tpu.memory_space<hbm>> -> memref<1x8x1024xf32, #tpu.memory_space<hbm>>
      %dma_start3A_216 = tpu.memref_squeeze %dma_start3A_215 : memref<1x8x1024xf32, #tpu.memory_space<hbm>> -> memref<8x1024xf32, #tpu.memory_space<hbm>>
      %dma_start3A_217 = tpu.memref_slice %arg5[%add3A_209, %mul3A_11, %mul3A_34] : memref<200x64x4096xf32, #tpu.memory_space<hbm>> -> memref<1x8x1024xf32, #tpu.memory_space<hbm>>
      %dma_start3A_218 = tpu.memref_squeeze %dma_start3A_217 : memref<1x8x1024xf32, #tpu.memory_space<hbm>> -> memref<8x1024xf32, #tpu.memory_space<hbm>>
      %dma_start3A_219 = arith.constant 0 : i32
      %dma_start3A_220 = arith.constant 0 : i32
      %dma_start3A_221 = tpu.memref_slice %arg8[%dma_start3A_210, %dma_start3A_219, %dma_start3A_220] : memref<2x8x1024xf32, #tpu.memory_space<vmem>> -> memref<1x8x1024xf32, #tpu.memory_space<vmem>>
      %dma_start3A_222 = tpu.memref_squeeze %dma_start3A_221 : memref<1x8x1024xf32, #tpu.memory_space<vmem>> -> memref<8x1024xf32, #tpu.memory_space<vmem>>
      tpu.enqueue_dma source(%dma_start3A_222 : memref<8x1024xf32, #tpu.memory_space<vmem>>) target(%dma_start3A_218 : memref<8x1024xf32, #tpu.memory_space<hbm>>) target_semaphore(%arg16 : memref<!tpu.dma_semaphore, #tpu.memory_space<semaphore_mem>>)
    }
    %scan3A_47 = arith.constant 50 : i32
    %dma_wait3A = arith.constant 0 : i32
    %dma_wait3A_48 = arith.constant 196 : i32
    %dma_wait3A_49 = arith.constant 0 : i32
    %dma_wait3A_50 = arith.constant 0 : i32
    %dma_wait3A_51 = tpu.memref_slice %arg7[%dma_wait3A, %dma_wait3A_49, %dma_wait3A_50] : memref<2x8x1024xf32, #tpu.memory_space<vmem>> -> memref<1x8x1024xf32, #tpu.memory_space<vmem>>
    %dma_wait3A_52 = tpu.memref_squeeze %dma_wait3A_51 : memref<1x8x1024xf32, #tpu.memory_space<vmem>> -> memref<8x1024xf32, #tpu.memory_space<vmem>>
    %dma_wait3A_53 = tpu.memref_slice %arg5[%dma_wait3A_48, %mul3A_11, %mul3A_34] : memref<200x64x4096xf32, #tpu.memory_space<hbm>> -> memref<1x8x1024xf32, #tpu.memory_space<hbm>>
    %dma_wait3A_54 = tpu.memref_squeeze %dma_wait3A_53 : memref<1x8x1024xf32, #tpu.memory_space<hbm>> -> memref<8x1024xf32, #tpu.memory_space<hbm>>
    %dma_wait3A_55 = tpu.memref_slice %arg5[%dma_wait3A_48, %mul3A_11, %mul3A_34] : memref<200x64x4096xf32, #tpu.memory_space<hbm>> -> memref<1x8x1024xf32, #tpu.memory_space<hbm>>
    %dma_wait3A_56 = tpu.memref_squeeze %dma_wait3A_55 : memref<1x8x1024xf32, #tpu.memory_space<hbm>> -> memref<8x1024xf32, #tpu.memory_space<hbm>>
    %dma_wait3A_57 = arith.constant 0 : i32
    %dma_wait3A_58 = arith.constant 0 : i32
    %dma_wait3A_59 = tpu.memref_slice %arg7[%dma_wait3A, %dma_wait3A_57, %dma_wait3A_58] : memref<2x8x1024xf32, #tpu.memory_space<vmem>> -> memref<1x8x1024xf32, #tpu.memory_space<vmem>>
    %dma_wait3A_60 = tpu.memref_squeeze %dma_wait3A_59 : memref<1x8x1024xf32, #tpu.memory_space<vmem>> -> memref<8x1024xf32, #tpu.memory_space<vmem>>
    tpu.wait_dma2 semaphore(%arg15 : memref<!tpu.dma_semaphore, #tpu.memory_space<semaphore_mem>>) src(%dma_wait3A_60 : memref<8x1024xf32, #tpu.memory_space<vmem>>) dst(%dma_wait3A_56 : memref<8x1024xf32, #tpu.memory_space<hbm>>)
    %dma_wait3A_61 = arith.constant 1 : i32
    %dma_wait3A_62 = arith.constant 197 : i32
    %dma_wait3A_63 = arith.constant 0 : i32
    %dma_wait3A_64 = arith.constant 0 : i32
    %dma_wait3A_65 = tpu.memref_slice %arg7[%dma_wait3A_61, %dma_wait3A_63, %dma_wait3A_64] : memref<2x8x1024xf32, #tpu.memory_space<vmem>> -> memref<1x8x1024xf32, #tpu.memory_space<vmem>>
    %dma_wait3A_66 = tpu.memref_squeeze %dma_wait3A_65 : memref<1x8x1024xf32, #tpu.memory_space<vmem>> -> memref<8x1024xf32, #tpu.memory_space<vmem>>
    %dma_wait3A_67 = tpu.memref_slice %arg5[%dma_wait3A_62, %mul3A_11, %mul3A_34] : memref<200x64x4096xf32, #tpu.memory_space<hbm>> -> memref<1x8x1024xf32, #tpu.memory_space<hbm>>
    %dma_wait3A_68 = tpu.memref_squeeze %dma_wait3A_67 : memref<1x8x1024xf32, #tpu.memory_space<hbm>> -> memref<8x1024xf32, #tpu.memory_space<hbm>>
    %dma_wait3A_69 = tpu.memref_slice %arg5[%dma_wait3A_62, %mul3A_11, %mul3A_34] : memref<200x64x4096xf32, #tpu.memory_space<hbm>> -> memref<1x8x1024xf32, #tpu.memory_space<hbm>>
    %dma_wait3A_70 = tpu.memref_squeeze %dma_wait3A_69 : memref<1x8x1024xf32, #tpu.memory_space<hbm>> -> memref<8x1024xf32, #tpu.memory_space<hbm>>
    %dma_wait3A_71 = arith.constant 0 : i32
    %dma_wait3A_72 = arith.constant 0 : i32
    %dma_wait3A_73 = tpu.memref_slice %arg7[%dma_wait3A_61, %dma_wait3A_71, %dma_wait3A_72] : memref<2x8x1024xf32, #tpu.memory_space<vmem>> -> memref<1x8x1024xf32, #tpu.memory_space<vmem>>
    %dma_wait3A_74 = tpu.memref_squeeze %dma_wait3A_73 : memref<1x8x1024xf32, #tpu.memory_space<vmem>> -> memref<8x1024xf32, #tpu.memory_space<vmem>>
    tpu.wait_dma2 semaphore(%arg15 : memref<!tpu.dma_semaphore, #tpu.memory_space<semaphore_mem>>) src(%dma_wait3A_74 : memref<8x1024xf32, #tpu.memory_space<vmem>>) dst(%dma_wait3A_70 : memref<8x1024xf32, #tpu.memory_space<hbm>>)
    %dma_wait3A_75 = arith.constant 0 : i32
    %dma_wait3A_76 = arith.constant 198 : i32
    %dma_wait3A_77 = arith.constant 0 : i32
    %dma_wait3A_78 = arith.constant 0 : i32
    %dma_wait3A_79 = tpu.memref_slice %arg8[%dma_wait3A_75, %dma_wait3A_77, %dma_wait3A_78] : memref<2x8x1024xf32, #tpu.memory_space<vmem>> -> memref<1x8x1024xf32, #tpu.memory_space<vmem>>
    %dma_wait3A_80 = tpu.memref_squeeze %dma_wait3A_79 : memref<1x8x1024xf32, #tpu.memory_space<vmem>> -> memref<8x1024xf32, #tpu.memory_space<vmem>>
    %dma_wait3A_81 = tpu.memref_slice %arg5[%dma_wait3A_76, %mul3A_11, %mul3A_34] : memref<200x64x4096xf32, #tpu.memory_space<hbm>> -> memref<1x8x1024xf32, #tpu.memory_space<hbm>>
    %dma_wait3A_82 = tpu.memref_squeeze %dma_wait3A_81 : memref<1x8x1024xf32, #tpu.memory_space<hbm>> -> memref<8x1024xf32, #tpu.memory_space<hbm>>
    %dma_wait3A_83 = tpu.memref_slice %arg5[%dma_wait3A_76, %mul3A_11, %mul3A_34] : memref<200x64x4096xf32, #tpu.memory_space<hbm>> -> memref<1x8x1024xf32, #tpu.memory_space<hbm>>
    %dma_wait3A_84 = tpu.memref_squeeze %dma_wait3A_83 : memref<1x8x1024xf32, #tpu.memory_space<hbm>> -> memref<8x1024xf32, #tpu.memory_space<hbm>>
    %dma_wait3A_85 = arith.constant 0 : i32
    %dma_wait3A_86 = arith.constant 0 : i32
    %dma_wait3A_87 = tpu.memref_slice %arg8[%dma_wait3A_75, %dma_wait3A_85, %dma_wait3A_86] : memref<2x8x1024xf32, #tpu.memory_space<vmem>> -> memref<1x8x1024xf32, #tpu.memory_space<vmem>>
    %dma_wait3A_88 = tpu.memref_squeeze %dma_wait3A_87 : memref<1x8x1024xf32, #tpu.memory_space<vmem>> -> memref<8x1024xf32, #tpu.memory_space<vmem>>
    tpu.wait_dma2 semaphore(%arg16 : memref<!tpu.dma_semaphore, #tpu.memory_space<semaphore_mem>>) src(%dma_wait3A_88 : memref<8x1024xf32, #tpu.memory_space<vmem>>) dst(%dma_wait3A_84 : memref<8x1024xf32, #tpu.memory_space<hbm>>)
    %dma_wait3A_89 = arith.constant 1 : i32
    %dma_wait3A_90 = arith.constant 199 : i32
    %dma_wait3A_91 = arith.constant 0 : i32
    %dma_wait3A_92 = arith.constant 0 : i32
    %dma_wait3A_93 = tpu.memref_slice %arg8[%dma_wait3A_89, %dma_wait3A_91, %dma_wait3A_92] : memref<2x8x1024xf32, #tpu.memory_space<vmem>> -> memref<1x8x1024xf32, #tpu.memory_space<vmem>>
    %dma_wait3A_94 = tpu.memref_squeeze %dma_wait3A_93 : memref<1x8x1024xf32, #tpu.memory_space<vmem>> -> memref<8x1024xf32, #tpu.memory_space<vmem>>
    %dma_wait3A_95 = tpu.memref_slice %arg5[%dma_wait3A_90, %mul3A_11, %mul3A_34] : memref<200x64x4096xf32, #tpu.memory_space<hbm>> -> memref<1x8x1024xf32, #tpu.memory_space<hbm>>
    %dma_wait3A_96 = tpu.memref_squeeze %dma_wait3A_95 : memref<1x8x1024xf32, #tpu.memory_space<hbm>> -> memref<8x1024xf32, #tpu.memory_space<hbm>>
    %dma_wait3A_97 = tpu.memref_slice %arg5[%dma_wait3A_90, %mul3A_11, %mul3A_34] : memref<200x64x4096xf32, #tpu.memory_space<hbm>> -> memref<1x8x1024xf32, #tpu.memory_space<hbm>>
    %dma_wait3A_98 = tpu.memref_squeeze %dma_wait3A_97 : memref<1x8x1024xf32, #tpu.memory_space<hbm>> -> memref<8x1024xf32, #tpu.memory_space<hbm>>
    %dma_wait3A_99 = arith.constant 0 : i32
    %dma_wait3A_100 = arith.constant 0 : i32
    %dma_wait3A_101 = tpu.memref_slice %arg8[%dma_wait3A_89, %dma_wait3A_99, %dma_wait3A_100] : memref<2x8x1024xf32, #tpu.memory_space<vmem>> -> memref<1x8x1024xf32, #tpu.memory_space<vmem>>
    %dma_wait3A_102 = tpu.memref_squeeze %dma_wait3A_101 : memref<1x8x1024xf32, #tpu.memory_space<vmem>> -> memref<8x1024xf32, #tpu.memory_space<vmem>>
    tpu.wait_dma2 semaphore(%arg16 : memref<!tpu.dma_semaphore, #tpu.memory_space<semaphore_mem>>) src(%dma_wait3A_102 : memref<8x1024xf32, #tpu.memory_space<vmem>>) dst(%dma_wait3A_98 : memref<8x1024xf32, #tpu.memory_space<hbm>>)
    return
  }
}

</mosaic_0001>

<sc_bundles>
// kernel: kernel.3.cloned.1.call-start
scs
__scs_entry_jumppad:
0x0: {  	(pc) =	sbr.rel $0x88, $3  }
0x1: {  	(tag) =	ssettag $0x0;
	lr =	simm.s32 $0x1  }
0x2: {  	[smem:$0x3F9E] =	sst lr;
	_ =	strace $0xD0000000  }
0x3: {  	_ = 	snop  }
0x4: {  	_ = 	snop  }
0x5: {  	_ = 	snop  }
0x6: {  	_ = 	snop  }
0x7: {  	_ = 	snop  }
__scs_overlays_trampoline_lowered:
0x8: {  	[smem:$0x3FAD] =	sst s0  }
0x9: {  	[smem:$0x3FAE] =	sst s1  }
0xa: {  	[smem:$0x3FAF] =	sst s2  }
0xb: {  	[smem:$0x3FB0] =	sst s3  }
0xc: {  	[smem:$0x3FB1] =	sst s4  }
0xd: {  	[smem:$0x3FB2] =	sst s5  }
0xe: {  	[smem:$0x3FB3] =	sst s6  }
0xf: {  	[smem:$0x3FB4] =	sst s7  }
0x10: {  	[smem:$0x3FB5] =	sst s8  }
0x11: {  	[smem:$0x3FB6] =	sst s9;
	s0 =	simm.s32 @!p0 $0x0  }
0x12: {  	s1 =	sld [smem:$0x3F9C];
	s0 =	simm.s32 @p0 $0x1  }
0x13: {  	[smem:$0x3FB7] =	sst s0;
	s0 =	simm.s32 @!p1 $0x0  }
0x14: {  	s2 =	sld [smem:$0x3F9B];
	s0 =	simm.s32 @p1 $0x1  }
0x15: {  	[smem:$0x3FB8] =	sst s0;
	s0 =	simm.s32 @!p2 $0x0  }
0x16: {  	s3 =	sld [smem:$0x3FDB];
	s0 =	simm.s32 @p2 $0x1  }
0x17: {  	s4 =	simm.s32 $0x1BF5;
	[smem:$0x3FBA] =	sst s0  }
0x18: {  	s0 =	sld [smem:$0x3F9D];
	_ =	swait.ge [sflag:s4], $0x0  }
0x19: {  	s7 =	sld [smem:$0x3F9E]  }
0x1a: {  	s8 =	sadd.s32 $0xFFFFE003, lr  }
0x1b: {  	s9 =	sadd.s32 $0xFFFFFEF7, lr;
	s5 =	simm.s32 $0xFFFFFFFF;
	p2 =	slt.u32 s8, $0xFFFFF086  }
0x1c: {  	p1 =	slt.u32 s9, $0xF7A;
	s5 =	simm.s32 @!p2 $0x0  }
0x1d: {  	s5 =	simm.s32 @p1 $0x1;
	p0 =	seq.s32 s7, s2  }
0x1e: {  	s7 =	smul.u32 @!p0 $0xF7A, s2;
	p2 =	seq.s32 @!p0 s5, $0x0  }
0x1f: {  	s9 =	smul.u32 $0xF7A, s1;
	s8 =	simm.s32 @!p0 $0x1BF5;
	p2 =	por !p2, p0  }
0x20: {  	[sflag:s8] =	ssyncset.s32 @!p0 $0xFFFFF086;
	s6 =	sadd.s32 @!p0 s3, s7;
	s7 =	simm.s32 @!p0 $0x108  }
0x21: {  	s3 =	sadd.s32 s3, s9;
	s6 =	sadd.s32 @!p0 $0x88, s6;
	s7 =	simm.s32 @p2 $0x1082  }
0x22: {  	[simem:s7], [sflag:s8] =	dma.local @!p0 [hbm:s6], $0xF7A  }
0x23: {  	s9 =	sor.u32 $0xD0000000, s2;
	s6 =	simm.s32 $0x108;
	_ =	swait.ge @!p0 [sflag:s8], $0x0  }
0x24: {  	s3 =	sadd.s32 $0x88, s3;
	s6 =	simm.s32 @!p1 $0x1082;
	[sflag:s4] =	ssyncset.s32 $0xFFFFF086  }
0x25: {  	[simem:s6], [sflag:s4] =	dma.local [hbm:s3], $0xF7A  }
0x26: {  	[smem:$0x3F9E] =	sst s1;
	(tag) =	ssettag s2;
	_ =	strace s9  }
0x27: {  	s1 =	sld [smem:$0x3FAE]  }
0x28: {  	s2 =	sld [smem:$0x3FAF]  }
0x29: {  	s4 =	sld [smem:$0x3FB1]  }
0x2a: {  	p0 =	seq.s32 s5, $0x0;
	s5 =	sld [smem:$0x3FB2]  }
0x2b: {  	s6 =	sld [smem:$0x3FB3]  }
0x2c: {  	s7 =	sld [smem:$0x3FB4]  }
0x2d: {  	s3 =	simm.s32 $0x108;
	s8 =	sld [smem:$0x3FB5]  }
0x2e: {  	s3 =	simm.s32 @!p0 $0x1082;
	s9 =	sld [smem:$0x3FB6]  }
0x2f: {  	lr =	sadd.s32 s0, s3;
	s0 =	sld [smem:$0x3FAD]  }
0x30: {  	s3 =	sld [smem:$0x3FB0]  }
0x31: {  	[smem:$0x3FB9] =	sst s10  }
0x32: {  	s10 =	sld [smem:$0x3FB7];
	_ =	sdelay $0x3  }
0x33: {  	p0 =	seq.s32 s10, $0x1;
	s10 =	sld [smem:$0x3FB9];
	_ =	sdelay $0x3  }
0x34: {  	[smem:$0x3FB9] =	sst s10  }
0x35: {  	s10 =	sld [smem:$0x3FB8];
	_ =	sdelay $0x3  }
0x36: {  	p1 =	seq.s32 s10, $0x1;
	s10 =	sld [smem:$0x3FB9];
	_ =	sdelay $0x3  }
0x37: {  	[smem:$0x3FB9] =	sst s10  }
0x38: {  	s10 =	sld [smem:$0x3FBA]  }
0x39: {  	_ = 	snop;
	(pc) =	sbr.ind lr, $3  }
0x3a: {  	_ = 	snop  }
0x3b: {  	_ = 	snop  }
0x3c: {  	p2 =	seq.s32 s10, $0x1;
	s10 =	sld [smem:$0x3FB9]  }
0x3d: {  	_ =	shalt  }
0x3e: {  	_ =	shalt  }
0x3f: {  	_ =	shalt  }
0x40: {  	_ =	shalt  }
0x41: {  	_ =	shalt  }
0x42: {  	_ =	shalt  }
0x43: {  	_ =	shalt  }
0x44: {  	_ =	shalt  }
0x45: {  	_ =	shalt  }
0x46: {  	_ =	shalt  }
0x47: {  	_ =	shalt  }
0x48: {  	_ =	shalt  }
0x49: {  	_ =	shalt  }
0x4a: {  	_ =	shalt  }
0x4b: {  	_ =	shalt  }
0x4c: {  	_ =	shalt  }
0x4d: {  	_ =	shalt  }
0x4e: {  	_ =	shalt  }
0x4f: {  	_ =	shalt  }
0x50: {  	_ =	shalt  }
0x51: {  	_ =	shalt  }
0x52: {  	_ =	shalt  }
0x53: {  	_ =	shalt  }
0x54: {  	_ =	shalt  }
0x55: {  	_ =	shalt  }
0x56: {  	_ =	shalt  }
0x57: {  	_ =	shalt  }
0x58: {  	_ =	shalt  }
0x59: {  	_ =	shalt  }
0x5a: {  	_ =	shalt  }
0x5b: {  	_ =	shalt  }
0x5c: {  	_ =	shalt  }
0x5d: {  	_ =	shalt  }
0x5e: {  	_ =	shalt  }
0x5f: {  	_ =	shalt  }
0x60: {  	_ =	shalt  }
0x61: {  	_ =	shalt  }
0x62: {  	_ =	shalt  }
0x63: {  	_ =	shalt  }
0x64: {  	_ =	shalt  }
0x65: {  	_ =	shalt  }
0x66: {  	_ =	shalt  }
0x67: {  	_ =	shalt  }
0x68: {  	_ =	shalt  }
0x69: {  	_ =	shalt  }
0x6a: {  	_ =	shalt  }
0x6b: {  	_ =	shalt  }
0x6c: {  	_ =	shalt  }
0x6d: {  	_ =	shalt  }
0x6e: {  	_ =	shalt  }
0x6f: {  	_ =	shalt  }
0x70: {  	_ =	shalt  }
0x71: {  	_ =	shalt  }
0x72: {  	_ =	shalt  }
0x73: {  	_ =	shalt  }
0x74: {  	_ =	shalt  }
0x75: {  	_ =	shalt  }
0x76: {  	_ =	shalt  }
0x77: {  	_ =	shalt  }
0x78: {  	_ =	shalt  }
0x79: {  	_ =	shalt  }
0x7a: {  	_ =	shalt  }
0x7b: {  	_ =	shalt  }
0x7c: {  	_ =	shalt  }
0x7d: {  	_ =	shalt  }
0x7e: {  	_ =	shalt  }
0x7f: {  	_ =	shalt  }
0x80: {  	_ =	shalt  }
0x81: {  	_ =	shalt  }
0x82: {  	_ =	shalt  }
0x83: {  	_ =	shalt  }
0x84: {  	_ =	shalt  }
0x85: {  	_ =	shalt  }
0x86: {  	_ =	shalt  }
0x87: {  	_ =	shalt  }
.Lfunc_end0:
.L_simem_size_0:
called_computation_lowered:
.L_overlay_start_0:
0x88: {  	s2 =	sld [smem:$0x3FD9]  }
0x89: {  	s3 =	sld [smem:$0x3FFE];
	_ =	sdelay $0x1  }
0x8a: {  	s1 =	srdreg.scid  }
0x8b: {  	s0 =	sand.u32 $0x1, s1  }
0x8c: {  	s17 =	sshll.u32 s0, $0xA;
	s2 =	sadd.s32 s3, s2  }
0x8d: {  	s2 =	sadd.s32 s2, s17  }
0x8e: {  	[smem:$0x3FC5] =	sst s2  }
0x8f: {  	_ = 	snop  }
0x90: {  	s2 =	sld [smem:$0x3FC9]  }
0x91: {  	s18 =	sld [smem:$0x3FC8]  }
0x92: {  	s4 =	sld [smem:$0x3FD0];
	(tm) =	ssettm $0x1  }
0x93: {  	s5 =	sld [smem:$0x3FFB];
	_ =	sdelay $0x3  }
0x94: {  	_ =	strace s5  }
0x95: {  	s5 =	sld [smem:$0x3FFC];
	_ =	sdelay $0x3  }
0x96: {  	_ =	strace s5  }
0x97: {  	s5 =	sld [smem:$0x3FFD];
	_ =	sdelay $0x3  }
0x98: {  	_ =	strace s5  }
0x99: {  	_ =	strace $0x8FFFFFFF  }
0x9a: {  	s19 =	sld [smem:$0x3FDB];
	_ =	sdelay $0x1  }
0x9b: {  	s6 =	simm.s32 $_scs_section_size  }
0x9c: {  	s7 =	simm.s32 $_size__tile_overlayer_lowered;
	s8 =	simm.s32 $_tile_overlayer_lowered  }
0x9d: {  	s22 =	simm.s32 $0x1BFF;
	s21 =	sshll.u32 s8, $0x1;
	s5 =	sadd.s32 s6, s19  }
0x9e: {  	s9 =	simm.s32 $0x0;
	s20 =	sshll.u32 s7, $0x1;
	s7 =	sadd.s32 s21, s5  }
0x9f: {  	[timem:s9], [sflag:s22] =	dma.local [hbm:s7], s20  }
0xa0: {  	_ =	swait.ge [sflag:s22], s20  }
0xa1: {  	s6 =	ssub.s32 $0x0, s20;
	[sflag:s22] =	ssyncset.done $0x0  }
0xa2: {  	[sflag:s22] =	ssyncadd.s32 s6;
	_ =	sdelay $0x1  }
0xa3: {  	s23 =	simm.s32 $0x1B8B  }
0xa4: {  	_ =	swait.ge [sflag:s23], $0x1  }
0xa5: {  	[sflag:s23] =	ssyncset.done $0x0  }
0xa6: {  	s25 =	simm.s32 $0x1B8E;
	s24 =	sld [smem:$0x3FFE];
	[sflag:s23] =	ssyncadd.s32 $0xFFFFFFFF  }
0xa7: {  	s26 =	simm.s32 $execute0_lowered;
	[smem:$0x3FD2] =	sst s25  }
0xa8: {  	s7 =	sshll.u32 s26, $0x1;
	_ =	strace $0x80000046;
	[dreg:$0x1] =	wrdreg $0xFFFFFFFF  }
0xa9: {  	s28 =	simm.s32 $_size_execute0_lowered;
	s5 =	sadd.s32 s5, s7;
	[dreg:$0x0] =	wrdreg $0x0  }
0xaa: {  	s7 =	sshll.u32 s28, $0x1;
	[dreg:$0x2] =	wrdreg s5  }
0xab: {  	[dreg:$0x3] =	wrdreg s7  }
0xac: {  	[dreg:$0x4] =	wrdreg $0xC0  }
0xad: {  	_ =	task [dreg:s9], $0x5FFFF  }
0xae: {  	[dreg:$0x1] =	wrdreg $0xFFFFFFFF  }
0xaf: {  	[dreg:$0x0] =	wrdreg $0x60  }
0xb0: {  	[dreg:$0x2] =	wrdreg s2  }
0xb1: {  	[dreg:$0x3] =	wrdreg s18  }
0xb2: {  	[dreg:$0x4] =	wrdreg s24  }
0xb3: {  	[dreg:$0x5] =	wrdreg s4  }
0xb4: {  	[dreg:$0x6] =	wrdreg $0x9  }
0xb5: {  	_ =	task.clear_ibuf [dreg:s9], $0x7FFFF;
	_ =	strace $0x90000046  }
0xb6: {  	s29 =	simm.s32 $0x9;
	_ =	strace $0x80000048  }
0xb7: {  	_ =	swait.ge [sflag:s29], $0x1  }
0xb8: {  	[sflag:s29] =	ssyncadd.s32 $0xFFFFFFFF  }
0xb9: {  	_ =	strace $0x90000048  }
0xba: {  	_ =	sfence  }
0xbb: {  	s30 =	sld [smem:$0x0];
	_ =	sdelay $0x2  }
0xbc: {  	s31 =	sshll.u32 s1, $0xD;
	s1 =	sshrl.u32 s1, $0x2  }
0xbd: {  	s3 =	sand.u32 $0x4000, s31;
	s1 =	sadd.s32 s1, s30  }
0xbe: {  	s0 =	sor.u32 s3, s0;
	s1 =	sshll.u32 s1, $0x11  }
0xbf: {  	s0 =	sor.u32 s1, s0  }
0xc0: {  	s0 =	sadd.s32 $0x8F2B, s0  }
0xc1: {  	[sflag:s0] =	ssyncadd.remote.s32 $0x1  }
0xc2: {  	_ =	sfence.sel $0xFFFF  }
0xc3: {  	[dreg:$0x0] =	wrdreg $0xFFFFFFFF;
	(pc) =	sbr.abs _section_cstart, $3  }
0xc4: {  	[dreg:$0x1] =	wrdreg $0xFFFFFFFF  }
0xc5: {  	_ =	task.clear_ibuf [dreg:s9], $0x2FFFF;
	_ =	strace $0x9FFFFFFF  }
0xc6: {  	(tm) =	ssettm $0x7FFFFFFF  }
0xc7: {  	_ =	shalt  }
tec
execute0_lowered:
.L_overlay_start_1:
0x0: {  	(tag) =	ssettag $0x1  }
0x1: {  	s0 =	rddreg [dreg:$0x0]  }
0x2: {  	s1 =	rddreg [dreg:$0x1]  }
0x3: {  	s3 =	rddreg [dreg:$0x2]  }
0x4: {  	s2 =	srdreg.scid;
	s4 =	rddreg [dreg:$0x3]  }
0x5: {  	s6 =	stileid.u32;
	s9 =	simm.s32 $0x1;
	s17 =	simm.s32 $0x40000  }
0x6: {  	s18 =	simm.s32 $0x13C00;
	s19 =	simm.s32 $0x100;
	s20 =	simm.s32 $0x400  }
0x7: {  	s22 =	simm.s32 $0x17C00;
	s28 =	simm.s32 $0x200;
	s29 =	simm.s32 $0x280  }
0x8: {  	s30 =	simm.s32 $0x300;
	s31 =	simm.s32 $0x380;
	s21 =	simm.s32 $0x4  }
0x9: {  	s11 =	simm.s32 $0x0;
	s2 =	sand.u32 $0x1, s2;
	s7 =	sand.u32 $0x7, s6  }
0xa: {  	s5 =	sshll.u32 s2, $0x4;
	p1 =	sne.s32 s7, $0x0;
	s8 =	smul.u32 $0x2780, s7  }
0xb: {  	s2 =	ssub.s32 $0x2, s2;
	s7 =	sshll.u32 s7, $0xF;
	s6 =	sor.u32 s6, s5  }
0xc: {  	s5 =	simm.s32 $0x0;
	s24 =	sshrl.u32 s2, $0x1;
	p0 =	seq.s32 s6, $0x0  }
0xd: {  	[smem:$0x7FF] =	sst s5;
	s6 =	sshrl.u32 s6, $0x3;
	p0 =	por !p1, !p0  }
0xe: {  	s3 =	sadd.s32 s8, s3;
	s2 =	ssub.s32 s2, s24;
	p0 =	por !p0, !p0  }
0xf: {  	s8 =	simm.s32 $0x1;
	s24 =	simm.s32 $0x3;
	s9 =	simm.s32 @!p0 $0x0  }
0x10: {  	_ =	strace $0x80000047;
	s3 =	sadd.s32 $0x400, s3;
	s6 =	ssub.s32 s6, s9  }
0x11: {  	s2 =	smax.u32 s2, $0x1;
	[dreg:$0x5] =	wrdreg s3;
	s6 =	sshll.u32 s6, $0xD  }
0x12: {  	[dreg:$0x8] =	wrdreg s2;
	s9 =	sadd.s32 s7, s6;
	s10 =	sshrl.u32 s6, $0x3  }
0x13: {  	s13 =	sadd.s32 $0x40000, s6;
	s25 =	sshrl.u32 s9, $0x3;
	s26 =	sadd.s32 s1, s10  }
0x14: {  	s3 =	sadd.s32 s0, s25;
	[dreg:$0x7] =	wrdreg s26;
	s25 =	simm.s32 $0x80  }
0x15: {  	s26 =	simm.s32 $0x180;
	[dreg:$0x6] =	wrdreg s3;
	s3 =	simm.s32 $0x2  }
.LBB2_1:
0x16: {  	[dreg:$0x9] =	wrdreg s11  }
0x17: {  	s2 =	rddreg [dreg:$0x5];
	s14 =	simm.s32 $0x7  }
0x18: {  	[tilespmem:s5], [sflag:$0x7] =	stream.linear.gather [hbm4b:s2+s5], $0x13C00, $0x38;
	[tilespmem:$0x1CC00] =	vst v63  }
0x19: {  	_ =	swait.ge [sflag:s14], $0x13C00  }
0x1a: {  	[sflag:s14] =	ssyncset.done $0x0  }
0x1b: {  	s10 =	simm.s32 $0x2000;
	s15 =	rddreg [dreg:$0x6];
	[sflag:s14] =	ssyncadd.s32 $0xFFFEC400  }
0x1c: {  	[tilespmem:s18], [sflag:$0x1] =	stream.strided.gather [hbm4b:s15+s10], $0x4000, s17, s10, $0x38;
	[tilespmem:$0x1CC00] =	vst v63  }
0x1d: {  	s23 =	simm.s32 $0x1BC00;
	s16 =	rddreg [dreg:$0x7];
	s15 =	simm.s32 $0x0  }
0x1e: {  	[tilespmem:s23], [sflag:$0x3] =	stream.strided.gather [hbm4b:s16+s19], $0x800, s20, s19, $0x38;
	[tilespmem:$0x1CC00] =	vst v63  }
.LBB2_2:
0x1f: {  	p0 =	seq.s32 s15, $0x0  }
0x20: {  	s2 =	simm.s32 @!p0 $0x6  }
0x21: {  	s10 =	sshllo.u32 s15, $0x1;
	_ =	swait.ge @!p0 [sflag:s2], $0x2000  }
0x22: {  	s11 =	sshll.u32 s10, $0x13;
	[sflag:s2] =	ssyncset.done @!p0 $0x0  }
0x23: {  	s11 =	sor.u32 s7, s11;
	[sflag:s2] =	ssyncadd.s32 @!p0 $0xFFFFE000  }
0x24: {  	s12 =	sadd.s32 s6, s11;
	_ =	swait.ge @!p0 [sflag:s2], $0x2000  }
0x25: {  	s12 =	sshrl.u32 s12, $0x3;
	[sflag:s2] =	ssyncset.done @!p0 $0x0  }
0x26: {  	s14 =	simm.s32 $0x2000;
	s23 =	sadd.s32 s0, s12;
	[sflag:s2] =	ssyncadd.s32 @!p0 $0xFFFFE000  }
0x27: {  	[tilespmem:s22], [sflag:$0x2] =	stream.strided.gather [hbm4b:s23+s14], $0x4000, s17, s14, $0x38;
	[tilespmem:$0x1CC00] =	vst v63  }
0x28: {  	s14 =	sshll.u32 s15, $0xE  }
0x29: {  	s10 =	sshll.u32 s10, $0x8;
	s2 =	sand.u32 $0xF8000, s14  }
0x2a: {  	s10 =	sand.u32 $0x300, s10;
	s2 =	sadd.s32 s6, s2  }
0x2b: {  	s2 =	sor.u32 s2, s10  }
0x2c: {  	s2 =	sshrl.u32 s2, $0x3  }
0x2d: {  	s16 =	simm.s32 $0x1C400;
	s2 =	sadd.s32 s1, s2  }
0x2e: {  	[tilespmem:s16], [sflag:$0x4] =	stream.strided.gather [hbm4b:s2+s19], $0x800, s20, s19, $0x38;
	[tilespmem:$0x1CC00] =	vst v63  }
0x2f: {  	_ =	swait.ge [sflag:s8], $0x4000  }
0x30: {  	[sflag:s8] =	ssyncset.done $0x0  }
0x31: {  	[sflag:s8] =	ssyncadd.s32 $0xFFFFC000  }
0x32: {  	_ =	swait.ge [sflag:s24], $0x800  }
0x33: {  	[sflag:s24] =	ssyncset.done $0x0  }
0x34: {  	s23 =	simm.s32 $0x1BC40;
	[sflag:s24] =	ssyncadd.s32 $0xFFFFF800  }
0x35: {  	v0 =	vld [tilespmem:s23+$0x30];
	_ =	sdelay $0x1  }
0x36: {  	v1 =	vld [tilespmem:s23+$0xFFFFFFD0]  }
0x37: {  	v4 =	vld [tilespmem:s23+$0xFFFFFFC0]  }
0x38: {  	v3 =	vld [tilespmem:s23+$0xFFFFFFE0]  }
0x39: {  	v2 =	vshll.u32 v0, $0x3  }
0x3a: {  	v0 =	vand.u32 $0x7F, v0;
	v2 =	vand.u32 $0xFFFFFC00, v2  }
0x3b: {  	v5 =	vor.u32 v0, v2  }
0x3c: {  	v8 =	vshll.u32 v4, $0x3;
	v4 =	vand.u32 $0x7F, v4;
	v0 =	vld [tilespmem:s23+$0xFFFFFFF0];
	v2 =	vshll.u32 v1, $0x3  }
0x3d: {  	v8 =	vand.u32 $0xFFFFFC00, v8;
	v7 =	vand.u32 $0xFFFFFC00, v2;
	v2 =	vshll.u32 v3, $0x3  }
0x3e: {  	v6 =	vld [tilespmem:s23+$0x0];
	v1 =	vand.u32 $0x7F, v1;
	v11 =	vand.u32 $0xFFFFFC00, v2;
	v2 =	vor.u32 v4, v8  }
0x3f: {  	v10 =	vld [tilespmem:s23+$0x10];
	v8 =	vand.u32 $0x7F, v3;
	v3 =	vor.u32 v1, v7  }
0x40: {  	v9 =	vld.idx.msk [tilespmem:v5+s5+$0x0], $0xffff  }
0x41: {  	v4 =	vld [tilespmem:s23+$0x20];
	v12 =	vshll.u32 v0, $0x3  }
0x42: {  	v7 =	vor.u32 v8, v11;
	v0 =	vand.u32 $0x7F, v0;
	v12 =	vand.u32 $0xFFFFFC00, v12  }
0x43: {  	v8 =	vor.u32 v0, v12;
	v11 =	vld.idx.msk [tilespmem:v2+s5+$0x0], $0xffff  }
0x44: {  	s2 =	simm.s32 $0x13FF0;
	v1 =	vshll.u32 v6, $0x3;
	v6 =	vand.u32 $0x7F, v6;
	v56 =	vld.idx.msk [tilespmem:v3+s5+$0x0], $0xffff  }
0x45: {  	v1 =	vand.u32 $0xFFFFFC00, v1;
	v0 =	vshll.u32 v10, $0x3;
	v10 =	vand.u32 $0x7F, v10;
	[tilespmem:s2+$0xFFFFFC80] =	vst.add.f32.msk $0xffff, v9  }
0x46: {  	v0 =	vand.u32 $0xFFFFFC00, v0;
	v9 =	vor.u32 v6, v1;
	v1 =	vshll.u32 v4, $0x3;
	v6 =	vld.idx.msk [tilespmem:v5+s25+$0x0], $0xffff  }
0x47: {  	v4 =	vand.u32 $0x7F, v4;
	v13 =	vand.u32 $0xFFFFFC00, v1;
	v1 =	vor.u32 v10, v0;
	v10 =	vld.idx.msk [tilespmem:v7+s5+$0x0], $0xffff  }
0x48: {  	v0 =	vor.u32 v4, v13;
	v4 =	vld.idx.msk [tilespmem:v8+s5+$0x0], $0xffff  }
0x49: {  	[tilespmem:s2+$0xFFFFFC10] =	vst.add.f32.msk $0xffff, v11  }
0x4a: {  	[tilespmem:s2+$0xFFFFFC20] =	vst.add.f32.msk $0xffff, v56  }
0x4b: {  	v57 =	vld.idx.msk [tilespmem:v9+s5+$0x0], $0xffff  }
0x4c: {  	[tilespmem:s2+$0xFFFFFD00] =	vst.add.f32.msk $0xffff, v6  }
0x4d: {  	v14 =	vld.idx.msk [tilespmem:v1+s5+$0x0], $0xffff  }
0x4e: {  	[tilespmem:s2+$0xFFFFFC30] =	vst.add.f32.msk $0xffff, v10  }
0x4f: {  	v10 =	vld.idx.msk [tilespmem:v3+s25+$0x0], $0xffff  }
0x50: {  	v6 =	vld.idx.msk [tilespmem:v5+s19+$0x0], $0xffff  }
0x51: {  	v15 =	vld.idx.msk [tilespmem:v0+s5+$0x0], $0xffff  }
0x52: {  	[tilespmem:s2+$0xFFFFFC40] =	vst.add.f32.msk $0xffff, v4  }
0x53: {  	v4 =	vld.idx.msk [tilespmem:v2+s25+$0x0], $0xffff  }
0x54: {  	v11 =	vld.idx.msk [tilespmem:v7+s25+$0x0], $0xffff  }
0x55: {  	v58 =	vld.idx.msk [tilespmem:v8+s25+$0x0], $0xffff  }
0x56: {  	[tilespmem:s2+$0xFFFFFC50] =	vst.add.f32.msk $0xffff, v57  }
0x57: {  	[tilespmem:s2+$0xFFFFFC60] =	vst.add.f32.msk $0xffff, v14  }
0x58: {  	v13 =	vld.idx.msk [tilespmem:v9+s25+$0x0], $0xffff  }
0x59: {  	[tilespmem:s2+$0xFFFFFCA0] =	vst.add.f32.msk $0xffff, v10  }
0x5a: {  	[tilespmem:s2+$0xFFFFFD80] =	vst.add.f32.msk $0xffff, v6  }
0x5b: {  	[tilespmem:s2+$0xFFFFFC70] =	vst.add.f32.msk $0xffff, v15  }
0x5c: {  	v14 =	vld.idx.msk [tilespmem:v1+s25+$0x0], $0xffff  }
0x5d: {  	[tilespmem:s2+$0xFFFFFC90] =	vst.add.f32.msk $0xffff, v4  }
0x5e: {  	[tilespmem:s2+$0xFFFFFCB0] =	vst.add.f32.msk $0xffff, v11  }
0x5f: {  	v10 =	vld.idx.msk [tilespmem:v3+s19+$0x0], $0xffff  }
0x60: {  	v6 =	vld.idx.msk [tilespmem:v5+s26+$0x0], $0xffff  }
0x61: {  	v15 =	vld.idx.msk [tilespmem:v0+s25+$0x0], $0xffff  }
0x62: {  	[tilespmem:s2+$0xFFFFFCC0] =	vst.add.f32.msk $0xffff, v58  }
0x63: {  	v11 =	vld.idx.msk [tilespmem:v8+s19+$0x0], $0xffff  }
0x64: {  	[tilespmem:s2+$0xFFFFFCD0] =	vst.add.f32.msk $0xffff, v13  }
0x65: {  	[tilespmem:s2+$0xFFFFFCE0] =	vst.add.f32.msk $0xffff, v14  }
0x66: {  	v59 =	vld.idx.msk [tilespmem:v9+s19+$0x0], $0xffff  }
0x67: {  	[tilespmem:s2+$0xFFFFFD20] =	vst.add.f32.msk $0xffff, v10  }
0x68: {  	[tilespmem:s2+$0xFFFFFE00] =	vst.add.f32.msk $0xffff, v6  }
0x69: {  	[tilespmem:s2+$0xFFFFFCF0] =	vst.add.f32.msk $0xffff, v15  }
0x6a: {  	v60 =	vld.idx.msk [tilespmem:v1+s19+$0x0], $0xffff  }
0x6b: {  	v6 =	vld.idx.msk [tilespmem:v5+s28+$0x0], $0xffff  }
0x6c: {  	v61 =	vld.idx.msk [tilespmem:v0+s19+$0x0], $0xffff  }
0x6d: {  	[tilespmem:s2+$0xFFFFFD40] =	vst.add.f32.msk $0xffff, v11  }
0x6e: {  	v10 =	vld.idx.msk [tilespmem:v8+s26+$0x0], $0xffff  }
0x6f: {  	[tilespmem:s2+$0xFFFFFD50] =	vst.add.f32.msk $0xffff, v59  }
0x70: {  	[tilespmem:s2+$0xFFFFFD60] =	vst.add.f32.msk $0xffff, v60  }
0x71: {  	v11 =	vld.idx.msk [tilespmem:v9+s26+$0x0], $0xffff  }
0x72: {  	[tilespmem:s2+$0xFFFFFE80] =	vst.add.f32.msk $0xffff, v6  }
0x73: {  	[tilespmem:s2+$0xFFFFFD70] =	vst.add.f32.msk $0xffff, v61  }
0x74: {  	v62 =	vld.idx.msk [tilespmem:v1+s26+$0x0], $0xffff  }
0x75: {  	v6 =	vld.idx.msk [tilespmem:v5+s29+$0x0], $0xffff  }
0x76: {  	v63 =	vld.idx.msk [tilespmem:v0+s26+$0x0], $0xffff  }
0x77: {  	[tilespmem:s2+$0xFFFFFDC0] =	vst.add.f32.msk $0xffff, v10  }
0x78: {  	v10 =	vld.idx.msk [tilespmem:v8+s28+$0x0], $0xffff  }
0x79: {  	[tilespmem:s2+$0xFFFFFDD0] =	vst.add.f32.msk $0xffff, v11  }
0x7a: {  	[tilespmem:s2+$0xFFFFFDE0] =	vst.add.f32.msk $0xffff, v62  }
0x7b: {  	v11 =	vld.idx.msk [tilespmem:v9+s28+$0x0], $0xffff  }
0x7c: {  	[tilespmem:s2+$0xFFFFFF00] =	vst.add.f32.msk $0xffff, v6  }
0x7d: {  	v6 =	vld.idx.msk [tilespmem:v2+s19+$0x0], $0xffff  }
0x7e: {  	[tilespmem:s2+$0xFFFFFDF0] =	vst.add.f32.msk $0xffff, v63  }
0x7f: {  	v12 =	vld.idx.msk [tilespmem:v1+s28+$0x0], $0xffff  }
0x80: {  	v4 =	vld.idx.msk [tilespmem:v5+s30+$0x0], $0xffff  }
0x81: {  	v13 =	vld.idx.msk [tilespmem:v0+s28+$0x0], $0xffff  }
0x82: {  	[tilespmem:s2+$0xFFFFFE40] =	vst.add.f32.msk $0xffff, v10  }
0x83: {  	v10 =	vld.idx.msk [tilespmem:v8+s29+$0x0], $0xffff  }
0x84: {  	[tilespmem:s2+$0xFFFFFE50] =	vst.add.f32.msk $0xffff, v11  }
0x85: {  	[tilespmem:s2+$0xFFFFFD10] =	vst.add.f32.msk $0xffff, v6  }
0x86: {  	[tilespmem:s2+$0xFFFFFE60] =	vst.add.f32.msk $0xffff, v12  }
0x87: {  	v11 =	vld.idx.msk [tilespmem:v9+s29+$0x0], $0xffff  }
0x88: {  	[tilespmem:s2+$0xFFFFFF80] =	vst.add.f32.msk $0xffff, v4  }
0x89: {  	[tilespmem:s2+$0xFFFFFE70] =	vst.add.f32.msk $0xffff, v13  }
0x8a: {  	v12 =	vld.idx.msk [tilespmem:v1+s29+$0x0], $0xffff  }
0x8b: {  	v4 =	vld.idx.msk [tilespmem:v5+s31+$0x0], $0xffff  }
0x8c: {  	v5 =	vld.idx.msk [tilespmem:v7+s19+$0x0], $0xffff  }
0x8d: {  	v13 =	vld.idx.msk [tilespmem:v0+s29+$0x0], $0xffff  }
0x8e: {  	[tilespmem:s2+$0xFFFFFEC0] =	vst.add.f32.msk $0xffff, v10  }
0x8f: {  	v10 =	vld.idx.msk [tilespmem:v8+s30+$0x0], $0xffff  }
0x90: {  	[tilespmem:s2+$0xFFFFFED0] =	vst.add.f32.msk $0xffff, v11  }
0x91: {  	[tilespmem:s2+$0xFFFFFEE0] =	vst.add.f32.msk $0xffff, v12  }
0x92: {  	v11 =	vld.idx.msk [tilespmem:v9+s30+$0x0], $0xffff  }
0x93: {  	[tilespmem:s2+$0x0] =	vst.add.f32.msk $0xffff, v4  }
0x94: {  	[tilespmem:s2+$0xFFFFFD30] =	vst.add.f32.msk $0xffff, v5  }
0x95: {  	v4 =	vld.idx.msk [tilespmem:v2+s26+$0x0], $0xffff  }
0x96: {  	v5 =	vld.idx.msk [tilespmem:v3+s26+$0x0], $0xffff  }
0x97: {  	[tilespmem:s2+$0xFFFFFEF0] =	vst.add.f32.msk $0xffff, v13  }
0x98: {  	v12 =	vld.idx.msk [tilespmem:v1+s30+$0x0], $0xffff  }
0x99: {  	v6 =	vld.idx.msk [tilespmem:v7+s26+$0x0], $0xffff  }
0x9a: {  	v13 =	vld.idx.msk [tilespmem:v0+s30+$0x0], $0xffff  }
0x9b: {  	[tilespmem:s2+$0xFFFFFF40] =	vst.add.f32.msk $0xffff, v10  }
0x9c: {  	[tilespmem:s2+$0xFFFFFD90] =	vst.add.f32.msk $0xffff, v4  }
0x9d: {  	[tilespmem:s2+$0xFFFFFDA0] =	vst.add.f32.msk $0xffff, v5  }
0x9e: {  	v4 =	vld.idx.msk [tilespmem:v2+s28+$0x0], $0xffff  }
0x9f: {  	v5 =	vld.idx.msk [tilespmem:v3+s28+$0x0], $0xffff  }
0xa0: {  	[tilespmem:s2+$0xFFFFFF50] =	vst.add.f32.msk $0xffff, v11  }
0xa1: {  	[tilespmem:s2+$0xFFFFFDB0] =	vst.add.f32.msk $0xffff, v6  }
0xa2: {  	v6 =	vld.idx.msk [tilespmem:v7+s28+$0x0], $0xffff  }
0xa3: {  	[tilespmem:s2+$0xFFFFFE10] =	vst.add.f32.msk $0xffff, v4  }
0xa4: {  	[tilespmem:s2+$0xFFFFFE20] =	vst.add.f32.msk $0xffff, v5  }
0xa5: {  	v4 =	vld.idx.msk [tilespmem:v2+s29+$0x0], $0xffff  }
0xa6: {  	v5 =	vld.idx.msk [tilespmem:v3+s29+$0x0], $0xffff  }
0xa7: {  	[tilespmem:s2+$0xFFFFFF60] =	vst.add.f32.msk $0xffff, v12  }
0xa8: {  	[tilespmem:s2+$0xFFFFFE30] =	vst.add.f32.msk $0xffff, v6  }
0xa9: {  	v6 =	vld.idx.msk [tilespmem:v7+s29+$0x0], $0xffff  }
0xaa: {  	[tilespmem:s2+$0xFFFFFE90] =	vst.add.f32.msk $0xffff, v4  }
0xab: {  	[tilespmem:s2+$0xFFFFFEA0] =	vst.add.f32.msk $0xffff, v5  }
0xac: {  	v4 =	vld.idx.msk [tilespmem:v2+s30+$0x0], $0xffff  }
0xad: {  	v5 =	vld.idx.msk [tilespmem:v3+s30+$0x0], $0xffff  }
0xae: {  	[tilespmem:s2+$0xFFFFFF70] =	vst.add.f32.msk $0xffff, v13  }
0xaf: {  	[tilespmem:s2+$0xFFFFFEB0] =	vst.add.f32.msk $0xffff, v6  }
0xb0: {  	v6 =	vld.idx.msk [tilespmem:v7+s30+$0x0], $0xffff  }
0xb1: {  	[tilespmem:s2+$0xFFFFFF10] =	vst.add.f32.msk $0xffff, v4  }
0xb2: {  	[tilespmem:s2+$0xFFFFFF20] =	vst.add.f32.msk $0xffff, v5  }
0xb3: {  	v5 =	vld.idx.msk [tilespmem:v8+s31+$0x0], $0xffff  }
0xb4: {  	v8 =	vld.idx.msk [tilespmem:v9+s31+$0x0], $0xffff  }
0xb5: {  	[tilespmem:s2+$0xFFFFFF30] =	vst.add.f32.msk $0xffff, v6  }
0xb6: {  	v6 =	vld.idx.msk [tilespmem:v2+s31+$0x0], $0xffff  }
0xb7: {  	v4 =	vld.idx.msk [tilespmem:v3+s31+$0x0], $0xffff  }
0xb8: {  	s14 =	sshll.u32 s15, $0x1;
	s10 =	simm.s32 $0x1BD40;
	s23 =	simm.s32 $0x0;
	v2 =	vld.idx.msk [tilespmem:v7+s31+$0x0], $0xffff  }
.LBB2_3:
0xb9: {  	v3 =	vld [tilespmem:s10+$0x30];
	s23 =	sadd.s32 $0x8, s23  }
0xba: {  	v9 =	vld [tilespmem:s10+$0xFFFFFFD0];
	p0 =	slt.u32 s23, $0x38  }
0xbb: {  	v10 =	vld [tilespmem:s10+$0xFFFFFFE0]  }
0xbc: {  	v11 =	vld [tilespmem:s10+$0xFFFFFFF0]  }
0xbd: {  	v12 =	vld [tilespmem:s10+$0x0]  }
0xbe: {  	v13 =	vld [tilespmem:s10+$0x10];
	v7 =	vshll.u32 v3, $0x3  }
0xbf: {  	v3 =	vand.u32 $0x7F, v3;
	v14 =	vshll.u32 v9, $0x3;
	v15 =	vld [tilespmem:s10+$0x20];
	v7 =	vand.u32 $0xFFFFFC00, v7  }
0xc0: {  	v16 =	vld [tilespmem:s10+$0xFFFFFFC0];
	v14 =	vand.u32 $0xFFFFFC00, v14;
	v17 =	vshll.u32 v10, $0x3;
	v7 =	vor.u32 v3, v7  }
0xc1: {  	v3 =	vand.u32 $0x7F, v9;
	v9 =	vand.u32 $0xFFFFFC00, v17;
	v17 =	vshll.u32 v11, $0x3;
	v18 =	vld.idx.msk [tilespmem:v1+s31+$0x0], $0xffff  }
0xc2: {  	v1 =	vand.u32 $0x7F, v10;
	v10 =	vand.u32 $0xFFFFFC00, v17;
	v17 =	vshll.u32 v12, $0x3;
	v19 =	vld.idx.msk [tilespmem:v0+s31+$0x0], $0xffff  }
0xc3: {  	v0 =	vand.u32 $0x7F, v11;
	v11 =	vand.u32 $0xFFFFFC00, v17;
	v17 =	vshll.u32 v13, $0x3;
	[tilespmem:s2+$0xFFFFFF90] =	vst.add.f32.msk $0xffff, v6  }
0xc4: {  	v12 =	vand.u32 $0x7F, v12;
	v17 =	vand.u32 $0xFFFFFC00, v17;
	v6 =	vshll.u32 v15, $0x3;
	[tilespmem:s2+$0xFFFFFFA0] =	vst.add.f32.msk $0xffff, v4  }
0xc5: {  	v4 =	vand.u32 $0x7F, v16;
	v16 =	vshll.u32 v16, $0x3;
	v20 =	vand.u32 $0xFFFFFC00, v6;
	v21 =	vld.idx.msk [tilespmem:v7+s5+$0x0], $0xffff  }
0xc6: {  	v13 =	vand.u32 $0x7F, v13;
	v15 =	vand.u32 $0x7F, v15;
	v6 =	vand.u32 $0xFFFFFC00, v16;
	[tilespmem:s2+$0xFFFFFFB0] =	vst.add.f32.msk $0xffff, v2  }
0xc7: {  	v2 =	vor.u32 v1, v9;
	v6 =	vor.u32 v4, v6;
	v4 =	vor.u32 v3, v14;
	[tilespmem:s2+$0xFFFFFFC0] =	vst.add.f32.msk $0xffff, v5  }
0xc8: {  	v1 =	vor.u32 v13, v17;
	v5 =	vor.u32 v0, v10;
	v3 =	vor.u32 v12, v11;
	[tilespmem:s2+$0xFFFFFFD0] =	vst.add.f32.msk $0xffff, v8  }
0xc9: {  	v0 =	vor.u32 v15, v20;
	[tilespmem:s2+$0xFFFFFFE0] =	vst.add.f32.msk $0xffff, v18  }
0xca: {  	[tilespmem:s2+$0xFFFFFFF0] =	vst.add.f32.msk $0xffff, v19;
	s2 =	sadd.s32 $0x400, s2  }
0xcb: {  	[tilespmem:s2+$0xFFFFFC80] =	vst.add.f32.msk $0xffff, v21  }
0xcc: {  	v8 =	vld.idx.msk [tilespmem:v7+s25+$0x0], $0xffff  }
0xcd: {  	v9 =	vld.idx.msk [tilespmem:v6+s5+$0x0], $0xffff  }
0xce: {  	v10 =	vld.idx.msk [tilespmem:v4+s5+$0x0], $0xffff  }
0xcf: {  	v11 =	vld.idx.msk [tilespmem:v2+s5+$0x0], $0xffff  }
0xd0: {  	v12 =	vld.idx.msk [tilespmem:v5+s5+$0x0], $0xffff  }
0xd1: {  	v13 =	vld.idx.msk [tilespmem:v3+s5+$0x0], $0xffff  }
0xd2: {  	[tilespmem:s2+$0xFFFFFD00] =	vst.add.f32.msk $0xffff, v8  }
0xd3: {  	v8 =	vld.idx.msk [tilespmem:v7+s19+$0x0], $0xffff  }
0xd4: {  	v14 =	vld.idx.msk [tilespmem:v1+s5+$0x0], $0xffff  }
0xd5: {  	v15 =	vld.idx.msk [tilespmem:v0+s5+$0x0], $0xffff  }
0xd6: {  	[tilespmem:s2+$0xFFFFFC10] =	vst.add.f32.msk $0xffff, v9  }
0xd7: {  	[tilespmem:s2+$0xFFFFFC20] =	vst.add.f32.msk $0xffff, v10  }
0xd8: {  	[tilespmem:s2+$0xFFFFFC30] =	vst.add.f32.msk $0xffff, v11  }
0xd9: {  	[tilespmem:s2+$0xFFFFFD80] =	vst.add.f32.msk $0xffff, v8  }
0xda: {  	v8 =	vld.idx.msk [tilespmem:v7+s26+$0x0], $0xffff  }
0xdb: {  	[tilespmem:s2+$0xFFFFFC40] =	vst.add.f32.msk $0xffff, v12  }
0xdc: {  	[tilespmem:s2+$0xFFFFFC50] =	vst.add.f32.msk $0xffff, v13  }
0xdd: {  	[tilespmem:s2+$0xFFFFFC60] =	vst.add.f32.msk $0xffff, v14  }
0xde: {  	[tilespmem:s2+$0xFFFFFC70] =	vst.add.f32.msk $0xffff, v15  }
0xdf: {  	v9 =	vld.idx.msk [tilespmem:v6+s25+$0x0], $0xffff  }
0xe0: {  	[tilespmem:s2+$0xFFFFFE00] =	vst.add.f32.msk $0xffff, v8  }
0xe1: {  	v8 =	vld.idx.msk [tilespmem:v7+s28+$0x0], $0xffff  }
0xe2: {  	v10 =	vld.idx.msk [tilespmem:v4+s25+$0x0], $0xffff  }
0xe3: {  	v11 =	vld.idx.msk [tilespmem:v2+s25+$0x0], $0xffff  }
0xe4: {  	v12 =	vld.idx.msk [tilespmem:v5+s25+$0x0], $0xffff  }
0xe5: {  	v13 =	vld.idx.msk [tilespmem:v3+s25+$0x0], $0xffff  }
0xe6: {  	v14 =	vld.idx.msk [tilespmem:v1+s25+$0x0], $0xffff  }
0xe7: {  	[tilespmem:s2+$0xFFFFFE80] =	vst.add.f32.msk $0xffff, v8  }
0xe8: {  	v8 =	vld.idx.msk [tilespmem:v7+s29+$0x0], $0xffff  }
0xe9: {  	v15 =	vld.idx.msk [tilespmem:v0+s25+$0x0], $0xffff  }
0xea: {  	[tilespmem:s2+$0xFFFFFC90] =	vst.add.f32.msk $0xffff, v9  }
0xeb: {  	[tilespmem:s2+$0xFFFFFCA0] =	vst.add.f32.msk $0xffff, v10  }
0xec: {  	[tilespmem:s2+$0xFFFFFCB0] =	vst.add.f32.msk $0xffff, v11  }
0xed: {  	[tilespmem:s2+$0xFFFFFCC0] =	vst.add.f32.msk $0xffff, v12  }
0xee: {  	[tilespmem:s2+$0xFFFFFF00] =	vst.add.f32.msk $0xffff, v8  }
0xef: {  	v8 =	vld.idx.msk [tilespmem:v7+s30+$0x0], $0xffff  }
0xf0: {  	[tilespmem:s2+$0xFFFFFCD0] =	vst.add.f32.msk $0xffff, v13  }
0xf1: {  	[tilespmem:s2+$0xFFFFFCE0] =	vst.add.f32.msk $0xffff, v14  }
0xf2: {  	[tilespmem:s2+$0xFFFFFCF0] =	vst.add.f32.msk $0xffff, v15  }
0xf3: {  	v9 =	vld.idx.msk [tilespmem:v6+s19+$0x0], $0xffff  }
0xf4: {  	v10 =	vld.idx.msk [tilespmem:v4+s19+$0x0], $0xffff  }
0xf5: {  	[tilespmem:s2+$0xFFFFFF80] =	vst.add.f32.msk $0xffff, v8  }
0xf6: {  	v7 =	vld.idx.msk [tilespmem:v7+s31+$0x0], $0xffff  }
0xf7: {  	v8 =	vld.idx.msk [tilespmem:v2+s19+$0x0], $0xffff  }
0xf8: {  	v11 =	vld.idx.msk [tilespmem:v5+s19+$0x0], $0xffff  }
0xf9: {  	v12 =	vld.idx.msk [tilespmem:v3+s19+$0x0], $0xffff  }
0xfa: {  	v13 =	vld.idx.msk [tilespmem:v1+s19+$0x0], $0xffff  }
0xfb: {  	v14 =	vld.idx.msk [tilespmem:v0+s19+$0x0], $0xffff  }
0xfc: {  	[tilespmem:s2+$0x0] =	vst.add.f32.msk $0xffff, v7  }
0xfd: {  	[tilespmem:s2+$0xFFFFFD10] =	vst.add.f32.msk $0xffff, v9  }
0xfe: {  	[tilespmem:s2+$0xFFFFFD20] =	vst.add.f32.msk $0xffff, v10  }
0xff: {  	[tilespmem:s2+$0xFFFFFD30] =	vst.add.f32.msk $0xffff, v8  }
0x100: {  	[tilespmem:s2+$0xFFFFFD40] =	vst.add.f32.msk $0xffff, v11  }
0x101: {  	[tilespmem:s2+$0xFFFFFD50] =	vst.add.f32.msk $0xffff, v12  }
0x102: {  	[tilespmem:s2+$0xFFFFFD60] =	vst.add.f32.msk $0xffff, v13  }
0x103: {  	[tilespmem:s2+$0xFFFFFD70] =	vst.add.f32.msk $0xffff, v14  }
0x104: {  	v7 =	vld.idx.msk [tilespmem:v6+s26+$0x0], $0xffff  }
0x105: {  	v8 =	vld.idx.msk [tilespmem:v4+s26+$0x0], $0xffff  }
0x106: {  	v9 =	vld.idx.msk [tilespmem:v2+s26+$0x0], $0xffff  }
0x107: {  	v10 =	vld.idx.msk [tilespmem:v5+s26+$0x0], $0xffff  }
0x108: {  	v11 =	vld.idx.msk [tilespmem:v3+s26+$0x0], $0xffff  }
0x109: {  	v12 =	vld.idx.msk [tilespmem:v1+s26+$0x0], $0xffff  }
0x10a: {  	v13 =	vld.idx.msk [tilespmem:v0+s26+$0x0], $0xffff  }
0x10b: {  	[tilespmem:s2+$0xFFFFFD90] =	vst.add.f32.msk $0xffff, v7  }
0x10c: {  	[tilespmem:s2+$0xFFFFFDA0] =	vst.add.f32.msk $0xffff, v8  }
0x10d: {  	[tilespmem:s2+$0xFFFFFDB0] =	vst.add.f32.msk $0xffff, v9  }
0x10e: {  	[tilespmem:s2+$0xFFFFFDC0] =	vst.add.f32.msk $0xffff, v10  }
0x10f: {  	[tilespmem:s2+$0xFFFFFDD0] =	vst.add.f32.msk $0xffff, v11  }
0x110: {  	[tilespmem:s2+$0xFFFFFDE0] =	vst.add.f32.msk $0xffff, v12  }
0x111: {  	[tilespmem:s2+$0xFFFFFDF0] =	vst.add.f32.msk $0xffff, v13  }
0x112: {  	v7 =	vld.idx.msk [tilespmem:v6+s28+$0x0], $0xffff  }
0x113: {  	v8 =	vld.idx.msk [tilespmem:v4+s28+$0x0], $0xffff  }
0x114: {  	v9 =	vld.idx.msk [tilespmem:v2+s28+$0x0], $0xffff  }
0x115: {  	v10 =	vld.idx.msk [tilespmem:v5+s28+$0x0], $0xffff  }
0x116: {  	v11 =	vld.idx.msk [tilespmem:v3+s28+$0x0], $0xffff  }
0x117: {  	v12 =	vld.idx.msk [tilespmem:v1+s28+$0x0], $0xffff  }
0x118: {  	v13 =	vld.idx.msk [tilespmem:v0+s28+$0x0], $0xffff  }
0x119: {  	[tilespmem:s2+$0xFFFFFE10] =	vst.add.f32.msk $0xffff, v7  }
0x11a: {  	[tilespmem:s2+$0xFFFFFE20] =	vst.add.f32.msk $0xffff, v8  }
0x11b: {  	[tilespmem:s2+$0xFFFFFE30] =	vst.add.f32.msk $0xffff, v9  }
0x11c: {  	[tilespmem:s2+$0xFFFFFE40] =	vst.add.f32.msk $0xffff, v10  }
0x11d: {  	[tilespmem:s2+$0xFFFFFE50] =	vst.add.f32.msk $0xffff, v11  }
0x11e: {  	[tilespmem:s2+$0xFFFFFE60] =	vst.add.f32.msk $0xffff, v12  }
0x11f: {  	[tilespmem:s2+$0xFFFFFE70] =	vst.add.f32.msk $0xffff, v13  }
0x120: {  	v7 =	vld.idx.msk [tilespmem:v6+s29+$0x0], $0xffff  }
0x121: {  	v8 =	vld.idx.msk [tilespmem:v4+s29+$0x0], $0xffff  }
0x122: {  	v9 =	vld.idx.msk [tilespmem:v2+s29+$0x0], $0xffff  }
0x123: {  	v10 =	vld.idx.msk [tilespmem:v5+s29+$0x0], $0xffff  }
0x124: {  	v11 =	vld.idx.msk [tilespmem:v3+s29+$0x0], $0xffff  }
0x125: {  	v12 =	vld.idx.msk [tilespmem:v1+s29+$0x0], $0xffff  }
0x126: {  	v13 =	vld.idx.msk [tilespmem:v0+s29+$0x0], $0xffff  }
0x127: {  	[tilespmem:s2+$0xFFFFFE90] =	vst.add.f32.msk $0xffff, v7  }
0x128: {  	[tilespmem:s2+$0xFFFFFEA0] =	vst.add.f32.msk $0xffff, v8  }
0x129: {  	[tilespmem:s2+$0xFFFFFEB0] =	vst.add.f32.msk $0xffff, v9  }
0x12a: {  	[tilespmem:s2+$0xFFFFFEC0] =	vst.add.f32.msk $0xffff, v10  }
0x12b: {  	[tilespmem:s2+$0xFFFFFED0] =	vst.add.f32.msk $0xffff, v11  }
0x12c: {  	[tilespmem:s2+$0xFFFFFEE0] =	vst.add.f32.msk $0xffff, v12  }
0x12d: {  	[tilespmem:s2+$0xFFFFFEF0] =	vst.add.f32.msk $0xffff, v13  }
0x12e: {  	v7 =	vld.idx.msk [tilespmem:v6+s30+$0x0], $0xffff  }
0x12f: {  	v8 =	vld.idx.msk [tilespmem:v4+s30+$0x0], $0xffff  }
0x130: {  	v9 =	vld.idx.msk [tilespmem:v2+s30+$0x0], $0xffff  }
0x131: {  	v10 =	vld.idx.msk [tilespmem:v5+s30+$0x0], $0xffff  }
0x132: {  	v11 =	vld.idx.msk [tilespmem:v3+s30+$0x0], $0xffff  }
0x133: {  	v12 =	vld.idx.msk [tilespmem:v1+s30+$0x0], $0xffff  }
0x134: {  	v13 =	vld.idx.msk [tilespmem:v0+s30+$0x0], $0xffff  }
0x135: {  	[tilespmem:s2+$0xFFFFFF10] =	vst.add.f32.msk $0xffff, v7  }
0x136: {  	[tilespmem:s2+$0xFFFFFF20] =	vst.add.f32.msk $0xffff, v8  }
0x137: {  	[tilespmem:s2+$0xFFFFFF30] =	vst.add.f32.msk $0xffff, v9  }
0x138: {  	[tilespmem:s2+$0xFFFFFF40] =	vst.add.f32.msk $0xffff, v10  }
0x139: {  	[tilespmem:s2+$0xFFFFFF50] =	vst.add.f32.msk $0xffff, v11  }
0x13a: {  	[tilespmem:s2+$0xFFFFFF60] =	vst.add.f32.msk $0xffff, v12  }
0x13b: {  	[tilespmem:s2+$0xFFFFFF70] =	vst.add.f32.msk $0xffff, v13  }
.Ltmp0:
0x13c: {  	v6 =	vld.idx.msk [tilespmem:v6+s31+$0x0], $0xffff;
	(pc) =	sbr.rel @p0 .LBB2_3-.Ltmp0, $4  }
0x13d: {  	v4 =	vld.idx.msk [tilespmem:v4+s31+$0x0], $0xffff  }
0x13e: {  	v2 =	vld.idx.msk [tilespmem:v2+s31+$0x0], $0xffff  }
0x13f: {  	v5 =	vld.idx.msk [tilespmem:v5+s31+$0x0], $0xffff  }
0x140: {  	s10 =	sadd.s32 $0x100, s10;
	v8 =	vld.idx.msk [tilespmem:v3+s31+$0x0], $0xffff  }
0x141: {  	_ =	sdelay $0x3  }
0x142: {  	v1 =	vld.idx.msk [tilespmem:v1+s31+$0x0], $0xffff  }
0x143: {  	v0 =	vld.idx.msk [tilespmem:v0+s31+$0x0], $0xffff  }
0x144: {  	[tilespmem:s2+$0xFFFFFF90] =	vst.add.f32.msk $0xffff, v6  }
0x145: {  	[tilespmem:s2+$0xFFFFFFA0] =	vst.add.f32.msk $0xffff, v4  }
0x146: {  	s10 =	sshll.u32 s15, $0x14;
	[tilespmem:s2+$0xFFFFFFB0] =	vst.add.f32.msk $0xffff, v2  }
0x147: {  	s23 =	sor.u32 s7, s10;
	[tilespmem:s2+$0xFFFFFFC0] =	vst.add.f32.msk $0xffff, v5  }
0x148: {  	s10 =	sadd.s32 s6, s23;
	[tilespmem:s2+$0xFFFFFFD0] =	vst.add.f32.msk $0xffff, v8  }
0x149: {  	s10 =	sshrl.u32 s10, $0x3;
	[tilespmem:s2+$0xFFFFFFE0] =	vst.add.f32.msk $0xffff, v1  }
0x14a: {  	s16 =	simm.s32 $0x1BCF0;
	s10 =	sadd.s32 s4, s10;
	[tilespmem:s2+$0xFFFFFFF0] =	vst.add.f32.msk $0xffff, v0  }
0x14b: {  	[hbm4b:s10+s5] =	stream.linear.scatter [tilespmem:s18], [sflag:$0x5], $0x2000, $0x38;
	[tilespmem:$0x1CC00] =	vst v63  }
0x14c: {  	v0 =	vld [tilespmem:s16+$0x0];
	_ =	sdelay $0x1  }
0x14d: {  	v1 =	vld [tilespmem:s16+$0xFFFFFFA0]  }
0x14e: {  	v4 =	vld [tilespmem:s16+$0xFFFFFF90]  }
0x14f: {  	v3 =	vld [tilespmem:s16+$0xFFFFFFB0]  }
0x150: {  	v2 =	vshll.u32 v0, $0x3  }
0x151: {  	v0 =	vand.u32 $0x7F, v0;
	v2 =	vand.u32 $0xFFFFFC00, v2  }
0x152: {  	v5 =	vor.u32 v0, v2  }
0x153: {  	v8 =	vshll.u32 v4, $0x3;
	v4 =	vand.u32 $0x7F, v4;
	v0 =	vld [tilespmem:s16+$0xFFFFFFC0];
	v2 =	vshll.u32 v1, $0x3  }
0x154: {  	v8 =	vand.u32 $0xFFFFFC00, v8;
	v7 =	vand.u32 $0xFFFFFC00, v2;
	v2 =	vshll.u32 v3, $0x3  }
0x155: {  	v6 =	vld [tilespmem:s16+$0xFFFFFFD0];
	v1 =	vand.u32 $0x7F, v1;
	v11 =	vand.u32 $0xFFFFFC00, v2;
	v2 =	vor.u32 v4, v8  }
0x156: {  	v10 =	vld [tilespmem:s16+$0xFFFFFFE0];
	v8 =	vand.u32 $0x7F, v3;
	v3 =	vor.u32 v1, v7  }
0x157: {  	v9 =	vld.idx.msk [tilespmem:v5+s5+$0x0], $0xffff  }
0x158: {  	v4 =	vld [tilespmem:s16+$0xFFFFFFF0];
	v12 =	vshll.u32 v0, $0x3  }
0x159: {  	v7 =	vor.u32 v8, v11;
	v0 =	vand.u32 $0x7F, v0;
	v12 =	vand.u32 $0xFFFFFC00, v12  }
0x15a: {  	v8 =	vor.u32 v0, v12;
	v11 =	vld.idx.msk [tilespmem:v2+s5+$0x0], $0xffff  }
0x15b: {  	s2 =	simm.s32 $0x15FF0;
	v1 =	vshll.u32 v6, $0x3;
	v6 =	vand.u32 $0x7F, v6;
	v56 =	vld.idx.msk [tilespmem:v3+s5+$0x0], $0xffff  }
0x15c: {  	v1 =	vand.u32 $0xFFFFFC00, v1;
	v0 =	vshll.u32 v10, $0x3;
	v10 =	vand.u32 $0x7F, v10;
	[tilespmem:s2+$0xFFFFFC80] =	vst.add.f32.msk $0xffff, v9  }
0x15d: {  	v0 =	vand.u32 $0xFFFFFC00, v0;
	v9 =	vor.u32 v6, v1;
	v1 =	vshll.u32 v4, $0x3;
	v6 =	vld.idx.msk [tilespmem:v5+s25+$0x0], $0xffff  }
0x15e: {  	v4 =	vand.u32 $0x7F, v4;
	v13 =	vand.u32 $0xFFFFFC00, v1;
	v1 =	vor.u32 v10, v0;
	v10 =	vld.idx.msk [tilespmem:v7+s5+$0x0], $0xffff  }
0x15f: {  	v0 =	vor.u32 v4, v13;
	v4 =	vld.idx.msk [tilespmem:v8+s5+$0x0], $0xffff  }
0x160: {  	[tilespmem:s2+$0xFFFFFC10] =	vst.add.f32.msk $0xffff, v11  }
0x161: {  	[tilespmem:s2+$0xFFFFFC20] =	vst.add.f32.msk $0xffff, v56  }
0x162: {  	v57 =	vld.idx.msk [tilespmem:v9+s5+$0x0], $0xffff  }
0x163: {  	[tilespmem:s2+$0xFFFFFD00] =	vst.add.f32.msk $0xffff, v6  }
0x164: {  	v14 =	vld.idx.msk [tilespmem:v1+s5+$0x0], $0xffff  }
0x165: {  	[tilespmem:s2+$0xFFFFFC30] =	vst.add.f32.msk $0xffff, v10  }
0x166: {  	v10 =	vld.idx.msk [tilespmem:v3+s25+$0x0], $0xffff  }
0x167: {  	v6 =	vld.idx.msk [tilespmem:v5+s19+$0x0], $0xffff  }
0x168: {  	v15 =	vld.idx.msk [tilespmem:v0+s5+$0x0], $0xffff  }
0x169: {  	[tilespmem:s2+$0xFFFFFC40] =	vst.add.f32.msk $0xffff, v4  }
0x16a: {  	v4 =	vld.idx.msk [tilespmem:v2+s25+$0x0], $0xffff  }
0x16b: {  	v11 =	vld.idx.msk [tilespmem:v7+s25+$0x0], $0xffff  }
0x16c: {  	v58 =	vld.idx.msk [tilespmem:v8+s25+$0x0], $0xffff  }
0x16d: {  	[tilespmem:s2+$0xFFFFFC50] =	vst.add.f32.msk $0xffff, v57  }
0x16e: {  	[tilespmem:s2+$0xFFFFFC60] =	vst.add.f32.msk $0xffff, v14  }
0x16f: {  	v13 =	vld.idx.msk [tilespmem:v9+s25+$0x0], $0xffff  }
0x170: {  	[tilespmem:s2+$0xFFFFFCA0] =	vst.add.f32.msk $0xffff, v10  }
0x171: {  	[tilespmem:s2+$0xFFFFFD80] =	vst.add.f32.msk $0xffff, v6  }
0x172: {  	[tilespmem:s2+$0xFFFFFC70] =	vst.add.f32.msk $0xffff, v15  }
0x173: {  	v14 =	vld.idx.msk [tilespmem:v1+s25+$0x0], $0xffff  }
0x174: {  	[tilespmem:s2+$0xFFFFFC90] =	vst.add.f32.msk $0xffff, v4  }
0x175: {  	[tilespmem:s2+$0xFFFFFCB0] =	vst.add.f32.msk $0xffff, v11  }
0x176: {  	v10 =	vld.idx.msk [tilespmem:v3+s19+$0x0], $0xffff  }
0x177: {  	v6 =	vld.idx.msk [tilespmem:v5+s26+$0x0], $0xffff  }
0x178: {  	v15 =	vld.idx.msk [tilespmem:v0+s25+$0x0], $0xffff  }
0x179: {  	[tilespmem:s2+$0xFFFFFCC0] =	vst.add.f32.msk $0xffff, v58  }
0x17a: {  	v11 =	vld.idx.msk [tilespmem:v8+s19+$0x0], $0xffff  }
0x17b: {  	[tilespmem:s2+$0xFFFFFCD0] =	vst.add.f32.msk $0xffff, v13  }
0x17c: {  	[tilespmem:s2+$0xFFFFFCE0] =	vst.add.f32.msk $0xffff, v14  }
0x17d: {  	v59 =	vld.idx.msk [tilespmem:v9+s19+$0x0], $0xffff  }
0x17e: {  	[tilespmem:s2+$0xFFFFFD20] =	vst.add.f32.msk $0xffff, v10  }
0x17f: {  	[tilespmem:s2+$0xFFFFFE00] =	vst.add.f32.msk $0xffff, v6  }
0x180: {  	[tilespmem:s2+$0xFFFFFCF0] =	vst.add.f32.msk $0xffff, v15  }
0x181: {  	v60 =	vld.idx.msk [tilespmem:v1+s19+$0x0], $0xffff  }
0x182: {  	v6 =	vld.idx.msk [tilespmem:v5+s28+$0x0], $0xffff  }
0x183: {  	v61 =	vld.idx.msk [tilespmem:v0+s19+$0x0], $0xffff  }
0x184: {  	[tilespmem:s2+$0xFFFFFD40] =	vst.add.f32.msk $0xffff, v11  }
0x185: {  	v10 =	vld.idx.msk [tilespmem:v8+s26+$0x0], $0xffff  }
0x186: {  	[tilespmem:s2+$0xFFFFFD50] =	vst.add.f32.msk $0xffff, v59  }
0x187: {  	[tilespmem:s2+$0xFFFFFD60] =	vst.add.f32.msk $0xffff, v60  }
0x188: {  	v11 =	vld.idx.msk [tilespmem:v9+s26+$0x0], $0xffff  }
0x189: {  	[tilespmem:s2+$0xFFFFFE80] =	vst.add.f32.msk $0xffff, v6  }
0x18a: {  	[tilespmem:s2+$0xFFFFFD70] =	vst.add.f32.msk $0xffff, v61  }
0x18b: {  	v62 =	vld.idx.msk [tilespmem:v1+s26+$0x0], $0xffff  }
0x18c: {  	v6 =	vld.idx.msk [tilespmem:v5+s29+$0x0], $0xffff  }
0x18d: {  	v63 =	vld.idx.msk [tilespmem:v0+s26+$0x0], $0xffff  }
0x18e: {  	[tilespmem:s2+$0xFFFFFDC0] =	vst.add.f32.msk $0xffff, v10  }
0x18f: {  	v10 =	vld.idx.msk [tilespmem:v8+s28+$0x0], $0xffff  }
0x190: {  	[tilespmem:s2+$0xFFFFFDD0] =	vst.add.f32.msk $0xffff, v11  }
0x191: {  	[tilespmem:s2+$0xFFFFFDE0] =	vst.add.f32.msk $0xffff, v62  }
0x192: {  	v11 =	vld.idx.msk [tilespmem:v9+s28+$0x0], $0xffff  }
0x193: {  	[tilespmem:s2+$0xFFFFFF00] =	vst.add.f32.msk $0xffff, v6  }
0x194: {  	v6 =	vld.idx.msk [tilespmem:v2+s19+$0x0], $0xffff  }
0x195: {  	[tilespmem:s2+$0xFFFFFDF0] =	vst.add.f32.msk $0xffff, v63  }
0x196: {  	v12 =	vld.idx.msk [tilespmem:v1+s28+$0x0], $0xffff  }
0x197: {  	v4 =	vld.idx.msk [tilespmem:v5+s30+$0x0], $0xffff  }
0x198: {  	v13 =	vld.idx.msk [tilespmem:v0+s28+$0x0], $0xffff  }
0x199: {  	[tilespmem:s2+$0xFFFFFE40] =	vst.add.f32.msk $0xffff, v10  }
0x19a: {  	v10 =	vld.idx.msk [tilespmem:v8+s29+$0x0], $0xffff  }
0x19b: {  	[tilespmem:s2+$0xFFFFFE50] =	vst.add.f32.msk $0xffff, v11  }
0x19c: {  	[tilespmem:s2+$0xFFFFFD10] =	vst.add.f32.msk $0xffff, v6  }
0x19d: {  	[tilespmem:s2+$0xFFFFFE60] =	vst.add.f32.msk $0xffff, v12  }
0x19e: {  	v11 =	vld.idx.msk [tilespmem:v9+s29+$0x0], $0xffff  }
0x19f: {  	[tilespmem:s2+$0xFFFFFF80] =	vst.add.f32.msk $0xffff, v4  }
0x1a0: {  	[tilespmem:s2+$0xFFFFFE70] =	vst.add.f32.msk $0xffff, v13  }
0x1a1: {  	v12 =	vld.idx.msk [tilespmem:v1+s29+$0x0], $0xffff  }
0x1a2: {  	v4 =	vld.idx.msk [tilespmem:v5+s31+$0x0], $0xffff  }
0x1a3: {  	v5 =	vld.idx.msk [tilespmem:v7+s19+$0x0], $0xffff  }
0x1a4: {  	v13 =	vld.idx.msk [tilespmem:v0+s29+$0x0], $0xffff  }
0x1a5: {  	[tilespmem:s2+$0xFFFFFEC0] =	vst.add.f32.msk $0xffff, v10  }
0x1a6: {  	v10 =	vld.idx.msk [tilespmem:v8+s30+$0x0], $0xffff  }
0x1a7: {  	[tilespmem:s2+$0xFFFFFED0] =	vst.add.f32.msk $0xffff, v11  }
0x1a8: {  	[tilespmem:s2+$0xFFFFFEE0] =	vst.add.f32.msk $0xffff, v12  }
0x1a9: {  	v11 =	vld.idx.msk [tilespmem:v9+s30+$0x0], $0xffff  }
0x1aa: {  	[tilespmem:s2+$0x0] =	vst.add.f32.msk $0xffff, v4  }
0x1ab: {  	[tilespmem:s2+$0xFFFFFD30] =	vst.add.f32.msk $0xffff, v5  }
0x1ac: {  	v4 =	vld.idx.msk [tilespmem:v2+s26+$0x0], $0xffff  }
0x1ad: {  	v5 =	vld.idx.msk [tilespmem:v3+s26+$0x0], $0xffff  }
0x1ae: {  	[tilespmem:s2+$0xFFFFFEF0] =	vst.add.f32.msk $0xffff, v13  }
0x1af: {  	v12 =	vld.idx.msk [tilespmem:v1+s30+$0x0], $0xffff  }
0x1b0: {  	v6 =	vld.idx.msk [tilespmem:v7+s26+$0x0], $0xffff  }
0x1b1: {  	v13 =	vld.idx.msk [tilespmem:v0+s30+$0x0], $0xffff  }
0x1b2: {  	[tilespmem:s2+$0xFFFFFF40] =	vst.add.f32.msk $0xffff, v10  }
0x1b3: {  	[tilespmem:s2+$0xFFFFFD90] =	vst.add.f32.msk $0xffff, v4  }
0x1b4: {  	[tilespmem:s2+$0xFFFFFDA0] =	vst.add.f32.msk $0xffff, v5  }
0x1b5: {  	v4 =	vld.idx.msk [tilespmem:v2+s28+$0x0], $0xffff  }
0x1b6: {  	v5 =	vld.idx.msk [tilespmem:v3+s28+$0x0], $0xffff  }
0x1b7: {  	[tilespmem:s2+$0xFFFFFF50] =	vst.add.f32.msk $0xffff, v11  }
0x1b8: {  	[tilespmem:s2+$0xFFFFFDB0] =	vst.add.f32.msk $0xffff, v6  }
0x1b9: {  	v6 =	vld.idx.msk [tilespmem:v7+s28+$0x0], $0xffff  }
0x1ba: {  	[tilespmem:s2+$0xFFFFFE10] =	vst.add.f32.msk $0xffff, v4  }
0x1bb: {  	[tilespmem:s2+$0xFFFFFE20] =	vst.add.f32.msk $0xffff, v5  }
0x1bc: {  	v4 =	vld.idx.msk [tilespmem:v2+s29+$0x0], $0xffff  }
0x1bd: {  	v5 =	vld.idx.msk [tilespmem:v3+s29+$0x0], $0xffff  }
0x1be: {  	[tilespmem:s2+$0xFFFFFF60] =	vst.add.f32.msk $0xffff, v12  }
0x1bf: {  	[tilespmem:s2+$0xFFFFFE30] =	vst.add.f32.msk $0xffff, v6  }
0x1c0: {  	v6 =	vld.idx.msk [tilespmem:v7+s29+$0x0], $0xffff  }
0x1c1: {  	[tilespmem:s2+$0xFFFFFE90] =	vst.add.f32.msk $0xffff, v4  }
0x1c2: {  	[tilespmem:s2+$0xFFFFFEA0] =	vst.add.f32.msk $0xffff, v5  }
0x1c3: {  	v4 =	vld.idx.msk [tilespmem:v2+s30+$0x0], $0xffff  }
0x1c4: {  	v5 =	vld.idx.msk [tilespmem:v3+s30+$0x0], $0xffff  }
0x1c5: {  	[tilespmem:s2+$0xFFFFFF70] =	vst.add.f32.msk $0xffff, v13  }
0x1c6: {  	[tilespmem:s2+$0xFFFFFEB0] =	vst.add.f32.msk $0xffff, v6  }
0x1c7: {  	v6 =	vld.idx.msk [tilespmem:v7+s30+$0x0], $0xffff  }
0x1c8: {  	[tilespmem:s2+$0xFFFFFF10] =	vst.add.f32.msk $0xffff, v4  }
0x1c9: {  	[tilespmem:s2+$0xFFFFFF20] =	vst.add.f32.msk $0xffff, v5  }
0x1ca: {  	v5 =	vld.idx.msk [tilespmem:v8+s31+$0x0], $0xffff  }
0x1cb: {  	v8 =	vld.idx.msk [tilespmem:v9+s31+$0x0], $0xffff  }
0x1cc: {  	[tilespmem:s2+$0xFFFFFF30] =	vst.add.f32.msk $0xffff, v6  }
0x1cd: {  	v6 =	vld.idx.msk [tilespmem:v2+s31+$0x0], $0xffff  }
0x1ce: {  	v4 =	vld.idx.msk [tilespmem:v3+s31+$0x0], $0xffff  }
0x1cf: {  	s10 =	simm.s32 $0x0;
	s16 =	simm.s32 $0x1BDF0;
	v2 =	vld.idx.msk [tilespmem:v7+s31+$0x0], $0xffff  }
.LBB2_5:
0x1d0: {  	v3 =	vld [tilespmem:s16+$0x0];
	s10 =	sadd.s32 $0x8, s10  }
0x1d1: {  	v9 =	vld [tilespmem:s16+$0xFFFFFFA0];
	p0 =	slt.u32 s10, $0x38  }
0x1d2: {  	v10 =	vld [tilespmem:s16+$0xFFFFFFB0]  }
0x1d3: {  	v11 =	vld [tilespmem:s16+$0xFFFFFFC0]  }
0x1d4: {  	v12 =	vld [tilespmem:s16+$0xFFFFFFD0]  }
0x1d5: {  	v13 =	vld [tilespmem:s16+$0xFFFFFFE0];
	v7 =	vshll.u32 v3, $0x3  }
0x1d6: {  	v3 =	vand.u32 $0x7F, v3;
	v14 =	vshll.u32 v9, $0x3;
	v15 =	vld [tilespmem:s16+$0xFFFFFFF0];
	v7 =	vand.u32 $0xFFFFFC00, v7  }
0x1d7: {  	v16 =	vld [tilespmem:s16+$0xFFFFFF90];
	v14 =	vand.u32 $0xFFFFFC00, v14;
	v17 =	vshll.u32 v10, $0x3;
	v7 =	vor.u32 v3, v7  }
0x1d8: {  	v3 =	vand.u32 $0x7F, v9;
	v9 =	vand.u32 $0xFFFFFC00, v17;
	v17 =	vshll.u32 v11, $0x3;
	v18 =	vld.idx.msk [tilespmem:v1+s31+$0x0], $0xffff  }
0x1d9: {  	v1 =	vand.u32 $0x7F, v10;
	v10 =	vand.u32 $0xFFFFFC00, v17;
	v17 =	vshll.u32 v12, $0x3;
	v19 =	vld.idx.msk [tilespmem:v0+s31+$0x0], $0xffff  }
0x1da: {  	v0 =	vand.u32 $0x7F, v11;
	v11 =	vand.u32 $0xFFFFFC00, v17;
	v17 =	vshll.u32 v13, $0x3;
	[tilespmem:s2+$0xFFFFFF90] =	vst.add.f32.msk $0xffff, v6  }
0x1db: {  	v12 =	vand.u32 $0x7F, v12;
	v17 =	vand.u32 $0xFFFFFC00, v17;
	v6 =	vshll.u32 v15, $0x3;
	[tilespmem:s2+$0xFFFFFFA0] =	vst.add.f32.msk $0xffff, v4  }
0x1dc: {  	v4 =	vand.u32 $0x7F, v16;
	v16 =	vshll.u32 v16, $0x3;
	v20 =	vand.u32 $0xFFFFFC00, v6;
	v21 =	vld.idx.msk [tilespmem:v7+s5+$0x0], $0xffff  }
0x1dd: {  	v13 =	vand.u32 $0x7F, v13;
	v15 =	vand.u32 $0x7F, v15;
	v6 =	vand.u32 $0xFFFFFC00, v16;
	[tilespmem:s2+$0xFFFFFFB0] =	vst.add.f32.msk $0xffff, v2  }
0x1de: {  	v2 =	vor.u32 v1, v9;
	v6 =	vor.u32 v4, v6;
	v4 =	vor.u32 v3, v14;
	[tilespmem:s2+$0xFFFFFFC0] =	vst.add.f32.msk $0xffff, v5  }
0x1df: {  	v1 =	vor.u32 v13, v17;
	v5 =	vor.u32 v0, v10;
	v3 =	vor.u32 v12, v11;
	[tilespmem:s2+$0xFFFFFFD0] =	vst.add.f32.msk $0xffff, v8  }
0x1e0: {  	v0 =	vor.u32 v15, v20;
	[tilespmem:s2+$0xFFFFFFE0] =	vst.add.f32.msk $0xffff, v18  }
0x1e1: {  	[tilespmem:s2+$0xFFFFFFF0] =	vst.add.f32.msk $0xffff, v19;
	s2 =	sadd.s32 $0x400, s2  }
0x1e2: {  	[tilespmem:s2+$0xFFFFFC80] =	vst.add.f32.msk $0xffff, v21  }
0x1e3: {  	v8 =	vld.idx.msk [tilespmem:v7+s25+$0x0], $0xffff  }
0x1e4: {  	v9 =	vld.idx.msk [tilespmem:v6+s5+$0x0], $0xffff  }
0x1e5: {  	v10 =	vld.idx.msk [tilespmem:v4+s5+$0x0], $0xffff  }
0x1e6: {  	v11 =	vld.idx.msk [tilespmem:v2+s5+$0x0], $0xffff  }
0x1e7: {  	v12 =	vld.idx.msk [tilespmem:v5+s5+$0x0], $0xffff  }
0x1e8: {  	v13 =	vld.idx.msk [tilespmem:v3+s5+$0x0], $0xffff  }
0x1e9: {  	[tilespmem:s2+$0xFFFFFD00] =	vst.add.f32.msk $0xffff, v8  }
0x1ea: {  	v8 =	vld.idx.msk [tilespmem:v7+s19+$0x0], $0xffff  }
0x1eb: {  	v14 =	vld.idx.msk [tilespmem:v1+s5+$0x0], $0xffff  }
0x1ec: {  	v15 =	vld.idx.msk [tilespmem:v0+s5+$0x0], $0xffff  }
0x1ed: {  	[tilespmem:s2+$0xFFFFFC10] =	vst.add.f32.msk $0xffff, v9  }
0x1ee: {  	[tilespmem:s2+$0xFFFFFC20] =	vst.add.f32.msk $0xffff, v10  }
0x1ef: {  	[tilespmem:s2+$0xFFFFFC30] =	vst.add.f32.msk $0xffff, v11  }
0x1f0: {  	[tilespmem:s2+$0xFFFFFD80] =	vst.add.f32.msk $0xffff, v8  }
0x1f1: {  	v8 =	vld.idx.msk [tilespmem:v7+s26+$0x0], $0xffff  }
0x1f2: {  	[tilespmem:s2+$0xFFFFFC40] =	vst.add.f32.msk $0xffff, v12  }
0x1f3: {  	[tilespmem:s2+$0xFFFFFC50] =	vst.add.f32.msk $0xffff, v13  }
0x1f4: {  	[tilespmem:s2+$0xFFFFFC60] =	vst.add.f32.msk $0xffff, v14  }
0x1f5: {  	[tilespmem:s2+$0xFFFFFC70] =	vst.add.f32.msk $0xffff, v15  }
0x1f6: {  	v9 =	vld.idx.msk [tilespmem:v6+s25+$0x0], $0xffff  }
0x1f7: {  	[tilespmem:s2+$0xFFFFFE00] =	vst.add.f32.msk $0xffff, v8  }
0x1f8: {  	v8 =	vld.idx.msk [tilespmem:v7+s28+$0x0], $0xffff  }
0x1f9: {  	v10 =	vld.idx.msk [tilespmem:v4+s25+$0x0], $0xffff  }
0x1fa: {  	v11 =	vld.idx.msk [tilespmem:v2+s25+$0x0], $0xffff  }
0x1fb: {  	v12 =	vld.idx.msk [tilespmem:v5+s25+$0x0], $0xffff  }
0x1fc: {  	v13 =	vld.idx.msk [tilespmem:v3+s25+$0x0], $0xffff  }
0x1fd: {  	v14 =	vld.idx.msk [tilespmem:v1+s25+$0x0], $0xffff  }
0x1fe: {  	[tilespmem:s2+$0xFFFFFE80] =	vst.add.f32.msk $0xffff, v8  }
0x1ff: {  	v8 =	vld.idx.msk [tilespmem:v7+s29+$0x0], $0xffff  }
0x200: {  	v15 =	vld.idx.msk [tilespmem:v0+s25+$0x0], $0xffff  }
0x201: {  	[tilespmem:s2+$0xFFFFFC90] =	vst.add.f32.msk $0xffff, v9  }
0x202: {  	[tilespmem:s2+$0xFFFFFCA0] =	vst.add.f32.msk $0xffff, v10  }
0x203: {  	[tilespmem:s2+$0xFFFFFCB0] =	vst.add.f32.msk $0xffff, v11  }
0x204: {  	[tilespmem:s2+$0xFFFFFCC0] =	vst.add.f32.msk $0xffff, v12  }
0x205: {  	[tilespmem:s2+$0xFFFFFF00] =	vst.add.f32.msk $0xffff, v8  }
0x206: {  	v8 =	vld.idx.msk [tilespmem:v7+s30+$0x0], $0xffff  }
0x207: {  	[tilespmem:s2+$0xFFFFFCD0] =	vst.add.f32.msk $0xffff, v13  }
0x208: {  	[tilespmem:s2+$0xFFFFFCE0] =	vst.add.f32.msk $0xffff, v14  }
0x209: {  	[tilespmem:s2+$0xFFFFFCF0] =	vst.add.f32.msk $0xffff, v15  }
0x20a: {  	v9 =	vld.idx.msk [tilespmem:v6+s19+$0x0], $0xffff  }
0x20b: {  	v10 =	vld.idx.msk [tilespmem:v4+s19+$0x0], $0xffff  }
0x20c: {  	[tilespmem:s2+$0xFFFFFF80] =	vst.add.f32.msk $0xffff, v8  }
0x20d: {  	v7 =	vld.idx.msk [tilespmem:v7+s31+$0x0], $0xffff  }
0x20e: {  	v8 =	vld.idx.msk [tilespmem:v2+s19+$0x0], $0xffff  }
0x20f: {  	v11 =	vld.idx.msk [tilespmem:v5+s19+$0x0], $0xffff  }
0x210: {  	v12 =	vld.idx.msk [tilespmem:v3+s19+$0x0], $0xffff  }
0x211: {  	v13 =	vld.idx.msk [tilespmem:v1+s19+$0x0], $0xffff  }
0x212: {  	v14 =	vld.idx.msk [tilespmem:v0+s19+$0x0], $0xffff  }
0x213: {  	[tilespmem:s2+$0x0] =	vst.add.f32.msk $0xffff, v7  }
0x214: {  	[tilespmem:s2+$0xFFFFFD10] =	vst.add.f32.msk $0xffff, v9  }
0x215: {  	[tilespmem:s2+$0xFFFFFD20] =	vst.add.f32.msk $0xffff, v10  }
0x216: {  	[tilespmem:s2+$0xFFFFFD30] =	vst.add.f32.msk $0xffff, v8  }
0x217: {  	[tilespmem:s2+$0xFFFFFD40] =	vst.add.f32.msk $0xffff, v11  }
0x218: {  	[tilespmem:s2+$0xFFFFFD50] =	vst.add.f32.msk $0xffff, v12  }
0x219: {  	[tilespmem:s2+$0xFFFFFD60] =	vst.add.f32.msk $0xffff, v13  }
0x21a: {  	[tilespmem:s2+$0xFFFFFD70] =	vst.add.f32.msk $0xffff, v14  }
0x21b: {  	v7 =	vld.idx.msk [tilespmem:v6+s26+$0x0], $0xffff  }
0x21c: {  	v8 =	vld.idx.msk [tilespmem:v4+s26+$0x0], $0xffff  }
0x21d: {  	v9 =	vld.idx.msk [tilespmem:v2+s26+$0x0], $0xffff  }
0x21e: {  	v10 =	vld.idx.msk [tilespmem:v5+s26+$0x0], $0xffff  }
0x21f: {  	v11 =	vld.idx.msk [tilespmem:v3+s26+$0x0], $0xffff  }
0x220: {  	v12 =	vld.idx.msk [tilespmem:v1+s26+$0x0], $0xffff  }
0x221: {  	v13 =	vld.idx.msk [tilespmem:v0+s26+$0x0], $0xffff  }
0x222: {  	[tilespmem:s2+$0xFFFFFD90] =	vst.add.f32.msk $0xffff, v7  }
0x223: {  	[tilespmem:s2+$0xFFFFFDA0] =	vst.add.f32.msk $0xffff, v8  }
0x224: {  	[tilespmem:s2+$0xFFFFFDB0] =	vst.add.f32.msk $0xffff, v9  }
0x225: {  	[tilespmem:s2+$0xFFFFFDC0] =	vst.add.f32.msk $0xffff, v10  }
0x226: {  	[tilespmem:s2+$0xFFFFFDD0] =	vst.add.f32.msk $0xffff, v11  }
0x227: {  	[tilespmem:s2+$0xFFFFFDE0] =	vst.add.f32.msk $0xffff, v12  }
0x228: {  	[tilespmem:s2+$0xFFFFFDF0] =	vst.add.f32.msk $0xffff, v13  }
0x229: {  	v7 =	vld.idx.msk [tilespmem:v6+s28+$0x0], $0xffff  }
0x22a: {  	v8 =	vld.idx.msk [tilespmem:v4+s28+$0x0], $0xffff  }
0x22b: {  	v9 =	vld.idx.msk [tilespmem:v2+s28+$0x0], $0xffff  }
0x22c: {  	v10 =	vld.idx.msk [tilespmem:v5+s28+$0x0], $0xffff  }
0x22d: {  	v11 =	vld.idx.msk [tilespmem:v3+s28+$0x0], $0xffff  }
0x22e: {  	v12 =	vld.idx.msk [tilespmem:v1+s28+$0x0], $0xffff  }
0x22f: {  	v13 =	vld.idx.msk [tilespmem:v0+s28+$0x0], $0xffff  }
0x230: {  	[tilespmem:s2+$0xFFFFFE10] =	vst.add.f32.msk $0xffff, v7  }
0x231: {  	[tilespmem:s2+$0xFFFFFE20] =	vst.add.f32.msk $0xffff, v8  }
0x232: {  	[tilespmem:s2+$0xFFFFFE30] =	vst.add.f32.msk $0xffff, v9  }
0x233: {  	[tilespmem:s2+$0xFFFFFE40] =	vst.add.f32.msk $0xffff, v10  }
0x234: {  	[tilespmem:s2+$0xFFFFFE50] =	vst.add.f32.msk $0xffff, v11  }
0x235: {  	[tilespmem:s2+$0xFFFFFE60] =	vst.add.f32.msk $0xffff, v12  }
0x236: {  	[tilespmem:s2+$0xFFFFFE70] =	vst.add.f32.msk $0xffff, v13  }
0x237: {  	v7 =	vld.idx.msk [tilespmem:v6+s29+$0x0], $0xffff  }
0x238: {  	v8 =	vld.idx.msk [tilespmem:v4+s29+$0x0], $0xffff  }
0x239: {  	v9 =	vld.idx.msk [tilespmem:v2+s29+$0x0], $0xffff  }
0x23a: {  	v10 =	vld.idx.msk [tilespmem:v5+s29+$0x0], $0xffff  }
0x23b: {  	v11 =	vld.idx.msk [tilespmem:v3+s29+$0x0], $0xffff  }
0x23c: {  	v12 =	vld.idx.msk [tilespmem:v1+s29+$0x0], $0xffff  }
0x23d: {  	v13 =	vld.idx.msk [tilespmem:v0+s29+$0x0], $0xffff  }
0x23e: {  	[tilespmem:s2+$0xFFFFFE90] =	vst.add.f32.msk $0xffff, v7  }
0x23f: {  	[tilespmem:s2+$0xFFFFFEA0] =	vst.add.f32.msk $0xffff, v8  }
0x240: {  	[tilespmem:s2+$0xFFFFFEB0] =	vst.add.f32.msk $0xffff, v9  }
0x241: {  	[tilespmem:s2+$0xFFFFFEC0] =	vst.add.f32.msk $0xffff, v10  }
0x242: {  	[tilespmem:s2+$0xFFFFFED0] =	vst.add.f32.msk $0xffff, v11  }
0x243: {  	[tilespmem:s2+$0xFFFFFEE0] =	vst.add.f32.msk $0xffff, v12  }
0x244: {  	[tilespmem:s2+$0xFFFFFEF0] =	vst.add.f32.msk $0xffff, v13  }
0x245: {  	v7 =	vld.idx.msk [tilespmem:v6+s30+$0x0], $0xffff  }
0x246: {  	v8 =	vld.idx.msk [tilespmem:v4+s30+$0x0], $0xffff  }
0x247: {  	v9 =	vld.idx.msk [tilespmem:v2+s30+$0x0], $0xffff  }
0x248: {  	v10 =	vld.idx.msk [tilespmem:v5+s30+$0x0], $0xffff  }
0x249: {  	v11 =	vld.idx.msk [tilespmem:v3+s30+$0x0], $0xffff  }
0x24a: {  	v12 =	vld.idx.msk [tilespmem:v1+s30+$0x0], $0xffff  }
0x24b: {  	v13 =	vld.idx.msk [tilespmem:v0+s30+$0x0], $0xffff  }
0x24c: {  	[tilespmem:s2+$0xFFFFFF10] =	vst.add.f32.msk $0xffff, v7  }
0x24d: {  	[tilespmem:s2+$0xFFFFFF20] =	vst.add.f32.msk $0xffff, v8  }
0x24e: {  	[tilespmem:s2+$0xFFFFFF30] =	vst.add.f32.msk $0xffff, v9  }
0x24f: {  	[tilespmem:s2+$0xFFFFFF40] =	vst.add.f32.msk $0xffff, v10  }
0x250: {  	[tilespmem:s2+$0xFFFFFF50] =	vst.add.f32.msk $0xffff, v11  }
0x251: {  	[tilespmem:s2+$0xFFFFFF60] =	vst.add.f32.msk $0xffff, v12  }
0x252: {  	[tilespmem:s2+$0xFFFFFF70] =	vst.add.f32.msk $0xffff, v13  }
.Ltmp1:
0x253: {  	v6 =	vld.idx.msk [tilespmem:v6+s31+$0x0], $0xffff;
	(pc) =	sbr.rel @p0 .LBB2_5-.Ltmp1, $4  }
0x254: {  	v4 =	vld.idx.msk [tilespmem:v4+s31+$0x0], $0xffff  }
0x255: {  	v2 =	vld.idx.msk [tilespmem:v2+s31+$0x0], $0xffff  }
0x256: {  	v5 =	vld.idx.msk [tilespmem:v5+s31+$0x0], $0xffff  }
0x257: {  	s16 =	sadd.s32 $0x100, s16;
	v8 =	vld.idx.msk [tilespmem:v3+s31+$0x0], $0xffff  }
0x258: {  	_ =	sdelay $0x3  }
0x259: {  	v1 =	vld.idx.msk [tilespmem:v1+s31+$0x0], $0xffff  }
0x25a: {  	v0 =	vld.idx.msk [tilespmem:v0+s31+$0x0], $0xffff  }
0x25b: {  	[tilespmem:s2+$0xFFFFFF90] =	vst.add.f32.msk $0xffff, v6  }
0x25c: {  	[tilespmem:s2+$0xFFFFFFA0] =	vst.add.f32.msk $0xffff, v4  }
0x25d: {  	[tilespmem:s2+$0xFFFFFFB0] =	vst.add.f32.msk $0xffff, v2  }
0x25e: {  	[tilespmem:s2+$0xFFFFFFC0] =	vst.add.f32.msk $0xffff, v5  }
0x25f: {  	s10 =	sadd.s32 s23, s13;
	[tilespmem:s2+$0xFFFFFFD0] =	vst.add.f32.msk $0xffff, v8  }
0x260: {  	p0 =	seq.s32 s15, $0x31;
	s10 =	sshrl.u32 s10, $0x3;
	[tilespmem:s2+$0xFFFFFFE0] =	vst.add.f32.msk $0xffff, v1  }
0x261: {  	s16 =	simm.s32 $0x15C00;
	s10 =	sadd.s32 s4, s10;
	[tilespmem:s2+$0xFFFFFFF0] =	vst.add.f32.msk $0xffff, v0;
	s2 =	simm.s32 @!p0 $0x5  }
0x262: {  	[hbm4b:s10+s5] =	stream.linear.scatter [tilespmem:s16], [sflag:$0x5], $0x2000, $0x38;
	[tilespmem:$0x1CC00] =	vst v63  }
0x263: {  	_ =	swait.ge @!p0 [sflag:s2], $0x2000  }
0x264: {  	s10 =	sadd.s32 @!p0 $0x2, s14;
	[sflag:s2] =	ssyncset.done @!p0 $0x0  }
0x265: {  	s14 =	sshll.u32 @!p0 s10, $0x13;
	[sflag:s2] =	ssyncadd.s32 @!p0 $0xFFFFE000  }
0x266: {  	s23 =	simm.s32 @!p0 $0x13C00;
	s14 =	sadd.s32 @!p0 s14, s9;
	_ =	swait.ge @!p0 [sflag:s2], $0x2000  }
0x267: {  	s16 =	simm.s32 @!p0 $0x40000;
	s14 =	sshrl.u32 @!p0 s14, $0x3;
	[sflag:s2] =	ssyncset.done @!p0 $0x0  }
0x268: {  	[sflag:s2] =	ssyncadd.s32 @!p0 $0xFFFFE000;
	s2 =	sadd.s32 @!p0 s0, s14;
	s14 =	simm.s32 @!p0 $0x2000  }
0x269: {  	[tilespmem:s23], [sflag:$0x1] =	stream.strided.gather @!p0 [hbm4b:s2+s14], $0x4000, s16, s14, $0x38;
	[tilespmem:$0x1CC00] =	vst v63  }
0x26a: {  	s2 =	sshll.u32 @!p0 s10, $0xD  }
0x26b: {  	s10 =	sshll.u32 @!p0 s10, $0x8;
	s2 =	sand.u32 @!p0 $0x1F8000, s2  }
0x26c: {  	s10 =	sand.u32 @!p0 $0x200, s10;
	s2 =	sadd.s32 @!p0 s6, s2  }
0x26d: {  	s2 =	sor.u32 @!p0 s10, s2  }
0x26e: {  	s14 =	simm.s32 @!p0 $0x400;
	s2 =	sshrl.u32 @!p0 s2, $0x3  }
0x26f: {  	s16 =	simm.s32 @!p0 $0x1BC00;
	s10 =	simm.s32 @!p0 $0x100;
	s2 =	sadd.s32 @!p0 s1, s2  }
0x270: {  	[tilespmem:s16], [sflag:$0x3] =	stream.strided.gather @!p0 [hbm4b:s2+s10], $0x800, s14, s10, $0x38;
	[tilespmem:$0x1CC00] =	vst v63  }
0x271: {  	_ =	swait.ge [sflag:s3], $0x4000  }
0x272: {  	[sflag:s3] =	ssyncset.done $0x0  }
0x273: {  	[sflag:s3] =	ssyncadd.s32 $0xFFFFC000  }
0x274: {  	_ =	swait.ge [sflag:s21], $0x800  }
0x275: {  	[sflag:s21] =	ssyncset.done $0x0  }
0x276: {  	s23 =	simm.s32 $0x1C440;
	[sflag:s21] =	ssyncadd.s32 $0xFFFFF800  }
0x277: {  	v0 =	vld [tilespmem:s23+$0x30];
	_ =	sdelay $0x1  }
0x278: {  	v1 =	vld [tilespmem:s23+$0xFFFFFFD0]  }
0x279: {  	v4 =	vld [tilespmem:s23+$0xFFFFFFC0]  }
0x27a: {  	v3 =	vld [tilespmem:s23+$0xFFFFFFE0]  }
0x27b: {  	v2 =	vshll.u32 v0, $0x3  }
0x27c: {  	v0 =	vand.u32 $0x7F, v0;
	v2 =	vand.u32 $0xFFFFFC00, v2  }
0x27d: {  	v5 =	vor.u32 v0, v2  }
0x27e: {  	v8 =	vshll.u32 v4, $0x3;
	v4 =	vand.u32 $0x7F, v4;
	v0 =	vld [tilespmem:s23+$0xFFFFFFF0];
	v2 =	vshll.u32 v1, $0x3  }
0x27f: {  	v8 =	vand.u32 $0xFFFFFC00, v8;
	v7 =	vand.u32 $0xFFFFFC00, v2;
	v2 =	vshll.u32 v3, $0x3  }
0x280: {  	v6 =	vld [tilespmem:s23+$0x0];
	v1 =	vand.u32 $0x7F, v1;
	v11 =	vand.u32 $0xFFFFFC00, v2;
	v2 =	vor.u32 v4, v8  }
0x281: {  	v10 =	vld [tilespmem:s23+$0x10];
	v8 =	vand.u32 $0x7F, v3;
	v3 =	vor.u32 v1, v7  }
0x282: {  	v9 =	vld.idx.msk [tilespmem:v5+s5+$0x0], $0xffff  }
0x283: {  	v4 =	vld [tilespmem:s23+$0x20];
	v12 =	vshll.u32 v0, $0x3  }
0x284: {  	v7 =	vor.u32 v8, v11;
	v0 =	vand.u32 $0x7F, v0;
	v12 =	vand.u32 $0xFFFFFC00, v12  }
0x285: {  	v8 =	vor.u32 v0, v12;
	v11 =	vld.idx.msk [tilespmem:v2+s5+$0x0], $0xffff  }
0x286: {  	s2 =	simm.s32 $0x17FF0;
	v1 =	vshll.u32 v6, $0x3;
	v6 =	vand.u32 $0x7F, v6;
	v56 =	vld.idx.msk [tilespmem:v3+s5+$0x0], $0xffff  }
0x287: {  	v1 =	vand.u32 $0xFFFFFC00, v1;
	v0 =	vshll.u32 v10, $0x3;
	v10 =	vand.u32 $0x7F, v10;
	[tilespmem:s2+$0xFFFFFC80] =	vst.add.f32.msk $0xffff, v9  }
0x288: {  	v0 =	vand.u32 $0xFFFFFC00, v0;
	v9 =	vor.u32 v6, v1;
	v1 =	vshll.u32 v4, $0x3;
	v6 =	vld.idx.msk [tilespmem:v5+s25+$0x0], $0xffff  }
0x289: {  	v4 =	vand.u32 $0x7F, v4;
	v13 =	vand.u32 $0xFFFFFC00, v1;
	v1 =	vor.u32 v10, v0;
	v10 =	vld.idx.msk [tilespmem:v7+s5+$0x0], $0xffff  }
0x28a: {  	v0 =	vor.u32 v4, v13;
	v4 =	vld.idx.msk [tilespmem:v8+s5+$0x0], $0xffff  }
0x28b: {  	[tilespmem:s2+$0xFFFFFC10] =	vst.add.f32.msk $0xffff, v11  }
0x28c: {  	[tilespmem:s2+$0xFFFFFC20] =	vst.add.f32.msk $0xffff, v56  }
0x28d: {  	v57 =	vld.idx.msk [tilespmem:v9+s5+$0x0], $0xffff  }
0x28e: {  	[tilespmem:s2+$0xFFFFFD00] =	vst.add.f32.msk $0xffff, v6  }
0x28f: {  	v14 =	vld.idx.msk [tilespmem:v1+s5+$0x0], $0xffff  }
0x290: {  	[tilespmem:s2+$0xFFFFFC30] =	vst.add.f32.msk $0xffff, v10  }
0x291: {  	v10 =	vld.idx.msk [tilespmem:v3+s25+$0x0], $0xffff  }
0x292: {  	v6 =	vld.idx.msk [tilespmem:v5+s19+$0x0], $0xffff  }
0x293: {  	v15 =	vld.idx.msk [tilespmem:v0+s5+$0x0], $0xffff  }
0x294: {  	[tilespmem:s2+$0xFFFFFC40] =	vst.add.f32.msk $0xffff, v4  }
0x295: {  	v4 =	vld.idx.msk [tilespmem:v2+s25+$0x0], $0xffff  }
0x296: {  	v11 =	vld.idx.msk [tilespmem:v7+s25+$0x0], $0xffff  }
0x297: {  	v58 =	vld.idx.msk [tilespmem:v8+s25+$0x0], $0xffff  }
0x298: {  	[tilespmem:s2+$0xFFFFFC50] =	vst.add.f32.msk $0xffff, v57  }
0x299: {  	[tilespmem:s2+$0xFFFFFC60] =	vst.add.f32.msk $0xffff, v14  }
0x29a: {  	v13 =	vld.idx.msk [tilespmem:v9+s25+$0x0], $0xffff  }
0x29b: {  	[tilespmem:s2+$0xFFFFFCA0] =	vst.add.f32.msk $0xffff, v10  }
0x29c: {  	[tilespmem:s2+$0xFFFFFD80] =	vst.add.f32.msk $0xffff, v6  }
0x29d: {  	[tilespmem:s2+$0xFFFFFC70] =	vst.add.f32.msk $0xffff, v15  }
0x29e: {  	v14 =	vld.idx.msk [tilespmem:v1+s25+$0x0], $0xffff  }
0x29f: {  	[tilespmem:s2+$0xFFFFFC90] =	vst.add.f32.msk $0xffff, v4  }
0x2a0: {  	[tilespmem:s2+$0xFFFFFCB0] =	vst.add.f32.msk $0xffff, v11  }
0x2a1: {  	v10 =	vld.idx.msk [tilespmem:v3+s19+$0x0], $0xffff  }
0x2a2: {  	v6 =	vld.idx.msk [tilespmem:v5+s26+$0x0], $0xffff  }
0x2a3: {  	v15 =	vld.idx.msk [tilespmem:v0+s25+$0x0], $0xffff  }
0x2a4: {  	[tilespmem:s2+$0xFFFFFCC0] =	vst.add.f32.msk $0xffff, v58  }
0x2a5: {  	v11 =	vld.idx.msk [tilespmem:v8+s19+$0x0], $0xffff  }
0x2a6: {  	[tilespmem:s2+$0xFFFFFCD0] =	vst.add.f32.msk $0xffff, v13  }
0x2a7: {  	[tilespmem:s2+$0xFFFFFCE0] =	vst.add.f32.msk $0xffff, v14  }
0x2a8: {  	v59 =	vld.idx.msk [tilespmem:v9+s19+$0x0], $0xffff  }
0x2a9: {  	[tilespmem:s2+$0xFFFFFD20] =	vst.add.f32.msk $0xffff, v10  }
0x2aa: {  	[tilespmem:s2+$0xFFFFFE00] =	vst.add.f32.msk $0xffff, v6  }
0x2ab: {  	[tilespmem:s2+$0xFFFFFCF0] =	vst.add.f32.msk $0xffff, v15  }
0x2ac: {  	v60 =	vld.idx.msk [tilespmem:v1+s19+$0x0], $0xffff  }
0x2ad: {  	v6 =	vld.idx.msk [tilespmem:v5+s28+$0x0], $0xffff  }
0x2ae: {  	v61 =	vld.idx.msk [tilespmem:v0+s19+$0x0], $0xffff  }
0x2af: {  	[tilespmem:s2+$0xFFFFFD40] =	vst.add.f32.msk $0xffff, v11  }
0x2b0: {  	v10 =	vld.idx.msk [tilespmem:v8+s26+$0x0], $0xffff  }
0x2b1: {  	[tilespmem:s2+$0xFFFFFD50] =	vst.add.f32.msk $0xffff, v59  }
0x2b2: {  	[tilespmem:s2+$0xFFFFFD60] =	vst.add.f32.msk $0xffff, v60  }
0x2b3: {  	v11 =	vld.idx.msk [tilespmem:v9+s26+$0x0], $0xffff  }
0x2b4: {  	[tilespmem:s2+$0xFFFFFE80] =	vst.add.f32.msk $0xffff, v6  }
0x2b5: {  	[tilespmem:s2+$0xFFFFFD70] =	vst.add.f32.msk $0xffff, v61  }
0x2b6: {  	v62 =	vld.idx.msk [tilespmem:v1+s26+$0x0], $0xffff  }
0x2b7: {  	v6 =	vld.idx.msk [tilespmem:v5+s29+$0x0], $0xffff  }
0x2b8: {  	v63 =	vld.idx.msk [tilespmem:v0+s26+$0x0], $0xffff  }
0x2b9: {  	[tilespmem:s2+$0xFFFFFDC0] =	vst.add.f32.msk $0xffff, v10  }
0x2ba: {  	v10 =	vld.idx.msk [tilespmem:v8+s28+$0x0], $0xffff  }
0x2bb: {  	[tilespmem:s2+$0xFFFFFDD0] =	vst.add.f32.msk $0xffff, v11  }
0x2bc: {  	[tilespmem:s2+$0xFFFFFDE0] =	vst.add.f32.msk $0xffff, v62  }
0x2bd: {  	v11 =	vld.idx.msk [tilespmem:v9+s28+$0x0], $0xffff  }
0x2be: {  	[tilespmem:s2+$0xFFFFFF00] =	vst.add.f32.msk $0xffff, v6  }
0x2bf: {  	v6 =	vld.idx.msk [tilespmem:v2+s19+$0x0], $0xffff  }
0x2c0: {  	[tilespmem:s2+$0xFFFFFDF0] =	vst.add.f32.msk $0xffff, v63  }
0x2c1: {  	v12 =	vld.idx.msk [tilespmem:v1+s28+$0x0], $0xffff  }
0x2c2: {  	v4 =	vld.idx.msk [tilespmem:v5+s30+$0x0], $0xffff  }
0x2c3: {  	v13 =	vld.idx.msk [tilespmem:v0+s28+$0x0], $0xffff  }
0x2c4: {  	[tilespmem:s2+$0xFFFFFE40] =	vst.add.f32.msk $0xffff, v10  }
0x2c5: {  	v10 =	vld.idx.msk [tilespmem:v8+s29+$0x0], $0xffff  }
0x2c6: {  	[tilespmem:s2+$0xFFFFFE50] =	vst.add.f32.msk $0xffff, v11  }
0x2c7: {  	[tilespmem:s2+$0xFFFFFD10] =	vst.add.f32.msk $0xffff, v6  }
0x2c8: {  	[tilespmem:s2+$0xFFFFFE60] =	vst.add.f32.msk $0xffff, v12  }
0x2c9: {  	v11 =	vld.idx.msk [tilespmem:v9+s29+$0x0], $0xffff  }
0x2ca: {  	[tilespmem:s2+$0xFFFFFF80] =	vst.add.f32.msk $0xffff, v4  }
0x2cb: {  	[tilespmem:s2+$0xFFFFFE70] =	vst.add.f32.msk $0xffff, v13  }
0x2cc: {  	v12 =	vld.idx.msk [tilespmem:v1+s29+$0x0], $0xffff  }
0x2cd: {  	v4 =	vld.idx.msk [tilespmem:v5+s31+$0x0], $0xffff  }
0x2ce: {  	v5 =	vld.idx.msk [tilespmem:v7+s19+$0x0], $0xffff  }
0x2cf: {  	v13 =	vld.idx.msk [tilespmem:v0+s29+$0x0], $0xffff  }
0x2d0: {  	[tilespmem:s2+$0xFFFFFEC0] =	vst.add.f32.msk $0xffff, v10  }
0x2d1: {  	v10 =	vld.idx.msk [tilespmem:v8+s30+$0x0], $0xffff  }
0x2d2: {  	[tilespmem:s2+$0xFFFFFED0] =	vst.add.f32.msk $0xffff, v11  }
0x2d3: {  	[tilespmem:s2+$0xFFFFFEE0] =	vst.add.f32.msk $0xffff, v12  }
0x2d4: {  	v11 =	vld.idx.msk [tilespmem:v9+s30+$0x0], $0xffff  }
0x2d5: {  	[tilespmem:s2+$0x0] =	vst.add.f32.msk $0xffff, v4  }
0x2d6: {  	[tilespmem:s2+$0xFFFFFD30] =	vst.add.f32.msk $0xffff, v5  }
0x2d7: {  	v4 =	vld.idx.msk [tilespmem:v2+s26+$0x0], $0xffff  }
0x2d8: {  	v5 =	vld.idx.msk [tilespmem:v3+s26+$0x0], $0xffff  }
0x2d9: {  	[tilespmem:s2+$0xFFFFFEF0] =	vst.add.f32.msk $0xffff, v13  }
0x2da: {  	v12 =	vld.idx.msk [tilespmem:v1+s30+$0x0], $0xffff  }
0x2db: {  	v6 =	vld.idx.msk [tilespmem:v7+s26+$0x0], $0xffff  }
0x2dc: {  	v13 =	vld.idx.msk [tilespmem:v0+s30+$0x0], $0xffff  }
0x2dd: {  	[tilespmem:s2+$0xFFFFFF40] =	vst.add.f32.msk $0xffff, v10  }
0x2de: {  	[tilespmem:s2+$0xFFFFFD90] =	vst.add.f32.msk $0xffff, v4  }
0x2df: {  	[tilespmem:s2+$0xFFFFFDA0] =	vst.add.f32.msk $0xffff, v5  }
0x2e0: {  	v4 =	vld.idx.msk [tilespmem:v2+s28+$0x0], $0xffff  }
0x2e1: {  	v5 =	vld.idx.msk [tilespmem:v3+s28+$0x0], $0xffff  }
0x2e2: {  	[tilespmem:s2+$0xFFFFFF50] =	vst.add.f32.msk $0xffff, v11  }
0x2e3: {  	[tilespmem:s2+$0xFFFFFDB0] =	vst.add.f32.msk $0xffff, v6  }
0x2e4: {  	v6 =	vld.idx.msk [tilespmem:v7+s28+$0x0], $0xffff  }
0x2e5: {  	[tilespmem:s2+$0xFFFFFE10] =	vst.add.f32.msk $0xffff, v4  }
0x2e6: {  	[tilespmem:s2+$0xFFFFFE20] =	vst.add.f32.msk $0xffff, v5  }
0x2e7: {  	v4 =	vld.idx.msk [tilespmem:v2+s29+$0x0], $0xffff  }
0x2e8: {  	v5 =	vld.idx.msk [tilespmem:v3+s29+$0x0], $0xffff  }
0x2e9: {  	[tilespmem:s2+$0xFFFFFF60] =	vst.add.f32.msk $0xffff, v12  }
0x2ea: {  	[tilespmem:s2+$0xFFFFFE30] =	vst.add.f32.msk $0xffff, v6  }
0x2eb: {  	v6 =	vld.idx.msk [tilespmem:v7+s29+$0x0], $0xffff  }
0x2ec: {  	[tilespmem:s2+$0xFFFFFE90] =	vst.add.f32.msk $0xffff, v4  }
0x2ed: {  	[tilespmem:s2+$0xFFFFFEA0] =	vst.add.f32.msk $0xffff, v5  }
0x2ee: {  	v4 =	vld.idx.msk [tilespmem:v2+s30+$0x0], $0xffff  }
0x2ef: {  	v5 =	vld.idx.msk [tilespmem:v3+s30+$0x0], $0xffff  }
0x2f0: {  	[tilespmem:s2+$0xFFFFFF70] =	vst.add.f32.msk $0xffff, v13  }
0x2f1: {  	[tilespmem:s2+$0xFFFFFEB0] =	vst.add.f32.msk $0xffff, v6  }
0x2f2: {  	v6 =	vld.idx.msk [tilespmem:v7+s30+$0x0], $0xffff  }
0x2f3: {  	[tilespmem:s2+$0xFFFFFF10] =	vst.add.f32.msk $0xffff, v4  }
0x2f4: {  	[tilespmem:s2+$0xFFFFFF20] =	vst.add.f32.msk $0xffff, v5  }
0x2f5: {  	v5 =	vld.idx.msk [tilespmem:v8+s31+$0x0], $0xffff  }
0x2f6: {  	v8 =	vld.idx.msk [tilespmem:v9+s31+$0x0], $0xffff  }
0x2f7: {  	[tilespmem:s2+$0xFFFFFF30] =	vst.add.f32.msk $0xffff, v6  }
0x2f8: {  	v6 =	vld.idx.msk [tilespmem:v2+s31+$0x0], $0xffff  }
0x2f9: {  	v4 =	vld.idx.msk [tilespmem:v3+s31+$0x0], $0xffff  }
0x2fa: {  	s10 =	simm.s32 $0x0;
	s14 =	simm.s32 $0x1C540;
	v2 =	vld.idx.msk [tilespmem:v7+s31+$0x0], $0xffff  }
.LBB2_7:
0x2fb: {  	v3 =	vld [tilespmem:s14+$0x30];
	s10 =	sadd.s32 $0x8, s10  }
0x2fc: {  	v9 =	vld [tilespmem:s14+$0xFFFFFFD0];
	p0 =	slt.u32 s10, $0x38  }
0x2fd: {  	v10 =	vld [tilespmem:s14+$0xFFFFFFE0]  }
0x2fe: {  	v11 =	vld [tilespmem:s14+$0xFFFFFFF0]  }
0x2ff: {  	v12 =	vld [tilespmem:s14+$0x0]  }
0x300: {  	v13 =	vld [tilespmem:s14+$0x10];
	v7 =	vshll.u32 v3, $0x3  }
0x301: {  	v3 =	vand.u32 $0x7F, v3;
	v14 =	vshll.u32 v9, $0x3;
	v15 =	vld [tilespmem:s14+$0x20];
	v7 =	vand.u32 $0xFFFFFC00, v7  }
0x302: {  	v16 =	vld [tilespmem:s14+$0xFFFFFFC0];
	v14 =	vand.u32 $0xFFFFFC00, v14;
	v17 =	vshll.u32 v10, $0x3;
	v7 =	vor.u32 v3, v7  }
0x303: {  	v3 =	vand.u32 $0x7F, v9;
	v9 =	vand.u32 $0xFFFFFC00, v17;
	v17 =	vshll.u32 v11, $0x3;
	v18 =	vld.idx.msk [tilespmem:v1+s31+$0x0], $0xffff  }
0x304: {  	v1 =	vand.u32 $0x7F, v10;
	v10 =	vand.u32 $0xFFFFFC00, v17;
	v17 =	vshll.u32 v12, $0x3;
	v19 =	vld.idx.msk [tilespmem:v0+s31+$0x0], $0xffff  }
0x305: {  	v0 =	vand.u32 $0x7F, v11;
	v11 =	vand.u32 $0xFFFFFC00, v17;
	v17 =	vshll.u32 v13, $0x3;
	[tilespmem:s2+$0xFFFFFF90] =	vst.add.f32.msk $0xffff, v6  }
0x306: {  	v12 =	vand.u32 $0x7F, v12;
	v17 =	vand.u32 $0xFFFFFC00, v17;
	v6 =	vshll.u32 v15, $0x3;
	[tilespmem:s2+$0xFFFFFFA0] =	vst.add.f32.msk $0xffff, v4  }
0x307: {  	v4 =	vand.u32 $0x7F, v16;
	v16 =	vshll.u32 v16, $0x3;
	v20 =	vand.u32 $0xFFFFFC00, v6;
	v21 =	vld.idx.msk [tilespmem:v7+s5+$0x0], $0xffff  }
0x308: {  	v13 =	vand.u32 $0x7F, v13;
	v15 =	vand.u32 $0x7F, v15;
	v6 =	vand.u32 $0xFFFFFC00, v16;
	[tilespmem:s2+$0xFFFFFFB0] =	vst.add.f32.msk $0xffff, v2  }
0x309: {  	v2 =	vor.u32 v1, v9;
	v6 =	vor.u32 v4, v6;
	v4 =	vor.u32 v3, v14;
	[tilespmem:s2+$0xFFFFFFC0] =	vst.add.f32.msk $0xffff, v5  }
0x30a: {  	v1 =	vor.u32 v13, v17;
	v5 =	vor.u32 v0, v10;
	v3 =	vor.u32 v12, v11;
	[tilespmem:s2+$0xFFFFFFD0] =	vst.add.f32.msk $0xffff, v8  }
0x30b: {  	v0 =	vor.u32 v15, v20;
	[tilespmem:s2+$0xFFFFFFE0] =	vst.add.f32.msk $0xffff, v18  }
0x30c: {  	[tilespmem:s2+$0xFFFFFFF0] =	vst.add.f32.msk $0xffff, v19;
	s2 =	sadd.s32 $0x400, s2  }
0x30d: {  	[tilespmem:s2+$0xFFFFFC80] =	vst.add.f32.msk $0xffff, v21  }
0x30e: {  	v8 =	vld.idx.msk [tilespmem:v7+s25+$0x0], $0xffff  }
0x30f: {  	v9 =	vld.idx.msk [tilespmem:v6+s5+$0x0], $0xffff  }
0x310: {  	v10 =	vld.idx.msk [tilespmem:v4+s5+$0x0], $0xffff  }
0x311: {  	v11 =	vld.idx.msk [tilespmem:v2+s5+$0x0], $0xffff  }
0x312: {  	v12 =	vld.idx.msk [tilespmem:v5+s5+$0x0], $0xffff  }
0x313: {  	v13 =	vld.idx.msk [tilespmem:v3+s5+$0x0], $0xffff  }
0x314: {  	[tilespmem:s2+$0xFFFFFD00] =	vst.add.f32.msk $0xffff, v8  }
0x315: {  	v8 =	vld.idx.msk [tilespmem:v7+s19+$0x0], $0xffff  }
0x316: {  	v14 =	vld.idx.msk [tilespmem:v1+s5+$0x0], $0xffff  }
0x317: {  	v15 =	vld.idx.msk [tilespmem:v0+s5+$0x0], $0xffff  }
0x318: {  	[tilespmem:s2+$0xFFFFFC10] =	vst.add.f32.msk $0xffff, v9  }
0x319: {  	[tilespmem:s2+$0xFFFFFC20] =	vst.add.f32.msk $0xffff, v10  }
0x31a: {  	[tilespmem:s2+$0xFFFFFC30] =	vst.add.f32.msk $0xffff, v11  }
0x31b: {  	[tilespmem:s2+$0xFFFFFD80] =	vst.add.f32.msk $0xffff, v8  }
0x31c: {  	v8 =	vld.idx.msk [tilespmem:v7+s26+$0x0], $0xffff  }
0x31d: {  	[tilespmem:s2+$0xFFFFFC40] =	vst.add.f32.msk $0xffff, v12  }
0x31e: {  	[tilespmem:s2+$0xFFFFFC50] =	vst.add.f32.msk $0xffff, v13  }
0x31f: {  	[tilespmem:s2+$0xFFFFFC60] =	vst.add.f32.msk $0xffff, v14  }
0x320: {  	[tilespmem:s2+$0xFFFFFC70] =	vst.add.f32.msk $0xffff, v15  }
0x321: {  	v9 =	vld.idx.msk [tilespmem:v6+s25+$0x0], $0xffff  }
0x322: {  	[tilespmem:s2+$0xFFFFFE00] =	vst.add.f32.msk $0xffff, v8  }
0x323: {  	v8 =	vld.idx.msk [tilespmem:v7+s28+$0x0], $0xffff  }
0x324: {  	v10 =	vld.idx.msk [tilespmem:v4+s25+$0x0], $0xffff  }
0x325: {  	v11 =	vld.idx.msk [tilespmem:v2+s25+$0x0], $0xffff  }
0x326: {  	v12 =	vld.idx.msk [tilespmem:v5+s25+$0x0], $0xffff  }
0x327: {  	v13 =	vld.idx.msk [tilespmem:v3+s25+$0x0], $0xffff  }
0x328: {  	v14 =	vld.idx.msk [tilespmem:v1+s25+$0x0], $0xffff  }
0x329: {  	[tilespmem:s2+$0xFFFFFE80] =	vst.add.f32.msk $0xffff, v8  }
0x32a: {  	v8 =	vld.idx.msk [tilespmem:v7+s29+$0x0], $0xffff  }
0x32b: {  	v15 =	vld.idx.msk [tilespmem:v0+s25+$0x0], $0xffff  }
0x32c: {  	[tilespmem:s2+$0xFFFFFC90] =	vst.add.f32.msk $0xffff, v9  }
0x32d: {  	[tilespmem:s2+$0xFFFFFCA0] =	vst.add.f32.msk $0xffff, v10  }
0x32e: {  	[tilespmem:s2+$0xFFFFFCB0] =	vst.add.f32.msk $0xffff, v11  }
0x32f: {  	[tilespmem:s2+$0xFFFFFCC0] =	vst.add.f32.msk $0xffff, v12  }
0x330: {  	[tilespmem:s2+$0xFFFFFF00] =	vst.add.f32.msk $0xffff, v8  }
0x331: {  	v8 =	vld.idx.msk [tilespmem:v7+s30+$0x0], $0xffff  }
0x332: {  	[tilespmem:s2+$0xFFFFFCD0] =	vst.add.f32.msk $0xffff, v13  }
0x333: {  	[tilespmem:s2+$0xFFFFFCE0] =	vst.add.f32.msk $0xffff, v14  }
0x334: {  	[tilespmem:s2+$0xFFFFFCF0] =	vst.add.f32.msk $0xffff, v15  }
0x335: {  	v9 =	vld.idx.msk [tilespmem:v6+s19+$0x0], $0xffff  }
0x336: {  	v10 =	vld.idx.msk [tilespmem:v4+s19+$0x0], $0xffff  }
0x337: {  	[tilespmem:s2+$0xFFFFFF80] =	vst.add.f32.msk $0xffff, v8  }
0x338: {  	v7 =	vld.idx.msk [tilespmem:v7+s31+$0x0], $0xffff  }
0x339: {  	v8 =	vld.idx.msk [tilespmem:v2+s19+$0x0], $0xffff  }
0x33a: {  	v11 =	vld.idx.msk [tilespmem:v5+s19+$0x0], $0xffff  }
0x33b: {  	v12 =	vld.idx.msk [tilespmem:v3+s19+$0x0], $0xffff  }
0x33c: {  	v13 =	vld.idx.msk [tilespmem:v1+s19+$0x0], $0xffff  }
0x33d: {  	v14 =	vld.idx.msk [tilespmem:v0+s19+$0x0], $0xffff  }
0x33e: {  	[tilespmem:s2+$0x0] =	vst.add.f32.msk $0xffff, v7  }
0x33f: {  	[tilespmem:s2+$0xFFFFFD10] =	vst.add.f32.msk $0xffff, v9  }
0x340: {  	[tilespmem:s2+$0xFFFFFD20] =	vst.add.f32.msk $0xffff, v10  }
0x341: {  	[tilespmem:s2+$0xFFFFFD30] =	vst.add.f32.msk $0xffff, v8  }
0x342: {  	[tilespmem:s2+$0xFFFFFD40] =	vst.add.f32.msk $0xffff, v11  }
0x343: {  	[tilespmem:s2+$0xFFFFFD50] =	vst.add.f32.msk $0xffff, v12  }
0x344: {  	[tilespmem:s2+$0xFFFFFD60] =	vst.add.f32.msk $0xffff, v13  }
0x345: {  	[tilespmem:s2+$0xFFFFFD70] =	vst.add.f32.msk $0xffff, v14  }
0x346: {  	v7 =	vld.idx.msk [tilespmem:v6+s26+$0x0], $0xffff  }
0x347: {  	v8 =	vld.idx.msk [tilespmem:v4+s26+$0x0], $0xffff  }
0x348: {  	v9 =	vld.idx.msk [tilespmem:v2+s26+$0x0], $0xffff  }
0x349: {  	v10 =	vld.idx.msk [tilespmem:v5+s26+$0x0], $0xffff  }
0x34a: {  	v11 =	vld.idx.msk [tilespmem:v3+s26+$0x0], $0xffff  }
0x34b: {  	v12 =	vld.idx.msk [tilespmem:v1+s26+$0x0], $0xffff  }
0x34c: {  	v13 =	vld.idx.msk [tilespmem:v0+s26+$0x0], $0xffff  }
0x34d: {  	[tilespmem:s2+$0xFFFFFD90] =	vst.add.f32.msk $0xffff, v7  }
0x34e: {  	[tilespmem:s2+$0xFFFFFDA0] =	vst.add.f32.msk $0xffff, v8  }
0x34f: {  	[tilespmem:s2+$0xFFFFFDB0] =	vst.add.f32.msk $0xffff, v9  }
0x350: {  	[tilespmem:s2+$0xFFFFFDC0] =	vst.add.f32.msk $0xffff, v10  }
0x351: {  	[tilespmem:s2+$0xFFFFFDD0] =	vst.add.f32.msk $0xffff, v11  }
0x352: {  	[tilespmem:s2+$0xFFFFFDE0] =	vst.add.f32.msk $0xffff, v12  }
0x353: {  	[tilespmem:s2+$0xFFFFFDF0] =	vst.add.f32.msk $0xffff, v13  }
0x354: {  	v7 =	vld.idx.msk [tilespmem:v6+s28+$0x0], $0xffff  }
0x355: {  	v8 =	vld.idx.msk [tilespmem:v4+s28+$0x0], $0xffff  }
0x356: {  	v9 =	vld.idx.msk [tilespmem:v2+s28+$0x0], $0xffff  }
0x357: {  	v10 =	vld.idx.msk [tilespmem:v5+s28+$0x0], $0xffff  }
0x358: {  	v11 =	vld.idx.msk [tilespmem:v3+s28+$0x0], $0xffff  }
0x359: {  	v12 =	vld.idx.msk [tilespmem:v1+s28+$0x0], $0xffff  }
0x35a: {  	v13 =	vld.idx.msk [tilespmem:v0+s28+$0x0], $0xffff  }
0x35b: {  	[tilespmem:s2+$0xFFFFFE10] =	vst.add.f32.msk $0xffff, v7  }
0x35c: {  	[tilespmem:s2+$0xFFFFFE20] =	vst.add.f32.msk $0xffff, v8  }
0x35d: {  	[tilespmem:s2+$0xFFFFFE30] =	vst.add.f32.msk $0xffff, v9  }
0x35e: {  	[tilespmem:s2+$0xFFFFFE40] =	vst.add.f32.msk $0xffff, v10  }
0x35f: {  	[tilespmem:s2+$0xFFFFFE50] =	vst.add.f32.msk $0xffff, v11  }
0x360: {  	[tilespmem:s2+$0xFFFFFE60] =	vst.add.f32.msk $0xffff, v12  }
0x361: {  	[tilespmem:s2+$0xFFFFFE70] =	vst.add.f32.msk $0xffff, v13  }
0x362: {  	v7 =	vld.idx.msk [tilespmem:v6+s29+$0x0], $0xffff  }
0x363: {  	v8 =	vld.idx.msk [tilespmem:v4+s29+$0x0], $0xffff  }
0x364: {  	v9 =	vld.idx.msk [tilespmem:v2+s29+$0x0], $0xffff  }
0x365: {  	v10 =	vld.idx.msk [tilespmem:v5+s29+$0x0], $0xffff  }
0x366: {  	v11 =	vld.idx.msk [tilespmem:v3+s29+$0x0], $0xffff  }
0x367: {  	v12 =	vld.idx.msk [tilespmem:v1+s29+$0x0], $0xffff  }
0x368: {  	v13 =	vld.idx.msk [tilespmem:v0+s29+$0x0], $0xffff  }
0x369: {  	[tilespmem:s2+$0xFFFFFE90] =	vst.add.f32.msk $0xffff, v7  }
0x36a: {  	[tilespmem:s2+$0xFFFFFEA0] =	vst.add.f32.msk $0xffff, v8  }
0x36b: {  	[tilespmem:s2+$0xFFFFFEB0] =	vst.add.f32.msk $0xffff, v9  }
0x36c: {  	[tilespmem:s2+$0xFFFFFEC0] =	vst.add.f32.msk $0xffff, v10  }
0x36d: {  	[tilespmem:s2+$0xFFFFFED0] =	vst.add.f32.msk $0xffff, v11  }
0x36e: {  	[tilespmem:s2+$0xFFFFFEE0] =	vst.add.f32.msk $0xffff, v12  }
0x36f: {  	[tilespmem:s2+$0xFFFFFEF0] =	vst.add.f32.msk $0xffff, v13  }
0x370: {  	v7 =	vld.idx.msk [tilespmem:v6+s30+$0x0], $0xffff  }
0x371: {  	v8 =	vld.idx.msk [tilespmem:v4+s30+$0x0], $0xffff  }
0x372: {  	v9 =	vld.idx.msk [tilespmem:v2+s30+$0x0], $0xffff  }
0x373: {  	v10 =	vld.idx.msk [tilespmem:v5+s30+$0x0], $0xffff  }
0x374: {  	v11 =	vld.idx.msk [tilespmem:v3+s30+$0x0], $0xffff  }
0x375: {  	v12 =	vld.idx.msk [tilespmem:v1+s30+$0x0], $0xffff  }
0x376: {  	v13 =	vld.idx.msk [tilespmem:v0+s30+$0x0], $0xffff  }
0x377: {  	[tilespmem:s2+$0xFFFFFF10] =	vst.add.f32.msk $0xffff, v7  }
0x378: {  	[tilespmem:s2+$0xFFFFFF20] =	vst.add.f32.msk $0xffff, v8  }
0x379: {  	[tilespmem:s2+$0xFFFFFF30] =	vst.add.f32.msk $0xffff, v9  }
0x37a: {  	[tilespmem:s2+$0xFFFFFF40] =	vst.add.f32.msk $0xffff, v10  }
0x37b: {  	[tilespmem:s2+$0xFFFFFF50] =	vst.add.f32.msk $0xffff, v11  }
0x37c: {  	[tilespmem:s2+$0xFFFFFF60] =	vst.add.f32.msk $0xffff, v12  }
0x37d: {  	[tilespmem:s2+$0xFFFFFF70] =	vst.add.f32.msk $0xffff, v13  }
.Ltmp2:
0x37e: {  	v6 =	vld.idx.msk [tilespmem:v6+s31+$0x0], $0xffff;
	(pc) =	sbr.rel @p0 .LBB2_7-.Ltmp2, $4  }
0x37f: {  	v4 =	vld.idx.msk [tilespmem:v4+s31+$0x0], $0xffff  }
0x380: {  	v2 =	vld.idx.msk [tilespmem:v2+s31+$0x0], $0xffff  }
0x381: {  	v5 =	vld.idx.msk [tilespmem:v5+s31+$0x0], $0xffff  }
0x382: {  	s14 =	sadd.s32 $0x100, s14;
	v8 =	vld.idx.msk [tilespmem:v3+s31+$0x0], $0xffff  }
0x383: {  	_ =	sdelay $0x3  }
0x384: {  	v1 =	vld.idx.msk [tilespmem:v1+s31+$0x0], $0xffff  }
0x385: {  	v0 =	vld.idx.msk [tilespmem:v0+s31+$0x0], $0xffff  }
0x386: {  	[tilespmem:s2+$0xFFFFFF90] =	vst.add.f32.msk $0xffff, v6  }
0x387: {  	[tilespmem:s2+$0xFFFFFFA0] =	vst.add.f32.msk $0xffff, v4  }
0x388: {  	[tilespmem:s2+$0xFFFFFFB0] =	vst.add.f32.msk $0xffff, v2  }
0x389: {  	[tilespmem:s2+$0xFFFFFFC0] =	vst.add.f32.msk $0xffff, v5  }
0x38a: {  	[tilespmem:s2+$0xFFFFFFD0] =	vst.add.f32.msk $0xffff, v8  }
0x38b: {  	[tilespmem:s2+$0xFFFFFFE0] =	vst.add.f32.msk $0xffff, v1  }
0x38c: {  	s16 =	sadd.s32 s4, s12;
	s23 =	simm.s32 $0x1C4F0;
	[tilespmem:s2+$0xFFFFFFF0] =	vst.add.f32.msk $0xffff, v0  }
0x38d: {  	[hbm4b:s16+s5] =	stream.linear.scatter [tilespmem:s22], [sflag:$0x6], $0x2000, $0x38;
	[tilespmem:$0x1CC00] =	vst v63  }
0x38e: {  	v0 =	vld [tilespmem:s23+$0x0];
	_ =	sdelay $0x1  }
0x38f: {  	v1 =	vld [tilespmem:s23+$0xFFFFFFA0]  }
0x390: {  	v4 =	vld [tilespmem:s23+$0xFFFFFF90]  }
0x391: {  	v3 =	vld [tilespmem:s23+$0xFFFFFFB0]  }
0x392: {  	v2 =	vshll.u32 v0, $0x3  }
0x393: {  	v0 =	vand.u32 $0x7F, v0;
	v2 =	vand.u32 $0xFFFFFC00, v2  }
0x394: {  	v5 =	vor.u32 v0, v2  }
0x395: {  	v8 =	vshll.u32 v4, $0x3;
	v4 =	vand.u32 $0x7F, v4;
	v0 =	vld [tilespmem:s23+$0xFFFFFFC0];
	v2 =	vshll.u32 v1, $0x3  }
0x396: {  	v8 =	vand.u32 $0xFFFFFC00, v8;
	v7 =	vand.u32 $0xFFFFFC00, v2;
	v2 =	vshll.u32 v3, $0x3  }
0x397: {  	v6 =	vld [tilespmem:s23+$0xFFFFFFD0];
	v1 =	vand.u32 $0x7F, v1;
	v11 =	vand.u32 $0xFFFFFC00, v2;
	v2 =	vor.u32 v4, v8  }
0x398: {  	v10 =	vld [tilespmem:s23+$0xFFFFFFE0];
	v8 =	vand.u32 $0x7F, v3;
	v3 =	vor.u32 v1, v7  }
0x399: {  	v9 =	vld.idx.msk [tilespmem:v5+s5+$0x0], $0xffff  }
0x39a: {  	v4 =	vld [tilespmem:s23+$0xFFFFFFF0];
	v12 =	vshll.u32 v0, $0x3  }
0x39b: {  	v7 =	vor.u32 v8, v11;
	v0 =	vand.u32 $0x7F, v0;
	v12 =	vand.u32 $0xFFFFFC00, v12  }
0x39c: {  	v8 =	vor.u32 v0, v12;
	v11 =	vld.idx.msk [tilespmem:v2+s5+$0x0], $0xffff  }
0x39d: {  	s2 =	simm.s32 $0x19FF0;
	v1 =	vshll.u32 v6, $0x3;
	v6 =	vand.u32 $0x7F, v6;
	v56 =	vld.idx.msk [tilespmem:v3+s5+$0x0], $0xffff  }
0x39e: {  	v1 =	vand.u32 $0xFFFFFC00, v1;
	v0 =	vshll.u32 v10, $0x3;
	v10 =	vand.u32 $0x7F, v10;
	[tilespmem:s2+$0xFFFFFC80] =	vst.add.f32.msk $0xffff, v9  }
0x39f: {  	v0 =	vand.u32 $0xFFFFFC00, v0;
	v9 =	vor.u32 v6, v1;
	v1 =	vshll.u32 v4, $0x3;
	v6 =	vld.idx.msk [tilespmem:v5+s25+$0x0], $0xffff  }
0x3a0: {  	v4 =	vand.u32 $0x7F, v4;
	v13 =	vand.u32 $0xFFFFFC00, v1;
	v1 =	vor.u32 v10, v0;
	v10 =	vld.idx.msk [tilespmem:v7+s5+$0x0], $0xffff  }
0x3a1: {  	v0 =	vor.u32 v4, v13;
	v4 =	vld.idx.msk [tilespmem:v8+s5+$0x0], $0xffff  }
0x3a2: {  	[tilespmem:s2+$0xFFFFFC10] =	vst.add.f32.msk $0xffff, v11  }
0x3a3: {  	[tilespmem:s2+$0xFFFFFC20] =	vst.add.f32.msk $0xffff, v56  }
0x3a4: {  	v57 =	vld.idx.msk [tilespmem:v9+s5+$0x0], $0xffff  }
0x3a5: {  	[tilespmem:s2+$0xFFFFFD00] =	vst.add.f32.msk $0xffff, v6  }
0x3a6: {  	v14 =	vld.idx.msk [tilespmem:v1+s5+$0x0], $0xffff  }
0x3a7: {  	[tilespmem:s2+$0xFFFFFC30] =	vst.add.f32.msk $0xffff, v10  }
0x3a8: {  	v10 =	vld.idx.msk [tilespmem:v3+s25+$0x0], $0xffff  }
0x3a9: {  	v6 =	vld.idx.msk [tilespmem:v5+s19+$0x0], $0xffff  }
0x3aa: {  	v15 =	vld.idx.msk [tilespmem:v0+s5+$0x0], $0xffff  }
0x3ab: {  	[tilespmem:s2+$0xFFFFFC40] =	vst.add.f32.msk $0xffff, v4  }
0x3ac: {  	v4 =	vld.idx.msk [tilespmem:v2+s25+$0x0], $0xffff  }
0x3ad: {  	v11 =	vld.idx.msk [tilespmem:v7+s25+$0x0], $0xffff  }
0x3ae: {  	v58 =	vld.idx.msk [tilespmem:v8+s25+$0x0], $0xffff  }
0x3af: {  	[tilespmem:s2+$0xFFFFFC50] =	vst.add.f32.msk $0xffff, v57  }
0x3b0: {  	[tilespmem:s2+$0xFFFFFC60] =	vst.add.f32.msk $0xffff, v14  }
0x3b1: {  	v13 =	vld.idx.msk [tilespmem:v9+s25+$0x0], $0xffff  }
0x3b2: {  	[tilespmem:s2+$0xFFFFFCA0] =	vst.add.f32.msk $0xffff, v10  }
0x3b3: {  	[tilespmem:s2+$0xFFFFFD80] =	vst.add.f32.msk $0xffff, v6  }
0x3b4: {  	[tilespmem:s2+$0xFFFFFC70] =	vst.add.f32.msk $0xffff, v15  }
0x3b5: {  	v14 =	vld.idx.msk [tilespmem:v1+s25+$0x0], $0xffff  }
0x3b6: {  	[tilespmem:s2+$0xFFFFFC90] =	vst.add.f32.msk $0xffff, v4  }
0x3b7: {  	[tilespmem:s2+$0xFFFFFCB0] =	vst.add.f32.msk $0xffff, v11  }
0x3b8: {  	v10 =	vld.idx.msk [tilespmem:v3+s19+$0x0], $0xffff  }
0x3b9: {  	v6 =	vld.idx.msk [tilespmem:v5+s26+$0x0], $0xffff  }
0x3ba: {  	v15 =	vld.idx.msk [tilespmem:v0+s25+$0x0], $0xffff  }
0x3bb: {  	[tilespmem:s2+$0xFFFFFCC0] =	vst.add.f32.msk $0xffff, v58  }
0x3bc: {  	v11 =	vld.idx.msk [tilespmem:v8+s19+$0x0], $0xffff  }
0x3bd: {  	[tilespmem:s2+$0xFFFFFCD0] =	vst.add.f32.msk $0xffff, v13  }
0x3be: {  	[tilespmem:s2+$0xFFFFFCE0] =	vst.add.f32.msk $0xffff, v14  }
0x3bf: {  	v59 =	vld.idx.msk [tilespmem:v9+s19+$0x0], $0xffff  }
0x3c0: {  	[tilespmem:s2+$0xFFFFFD20] =	vst.add.f32.msk $0xffff, v10  }
0x3c1: {  	[tilespmem:s2+$0xFFFFFE00] =	vst.add.f32.msk $0xffff, v6  }
0x3c2: {  	[tilespmem:s2+$0xFFFFFCF0] =	vst.add.f32.msk $0xffff, v15  }
0x3c3: {  	v60 =	vld.idx.msk [tilespmem:v1+s19+$0x0], $0xffff  }
0x3c4: {  	v6 =	vld.idx.msk [tilespmem:v5+s28+$0x0], $0xffff  }
0x3c5: {  	v61 =	vld.idx.msk [tilespmem:v0+s19+$0x0], $0xffff  }
0x3c6: {  	[tilespmem:s2+$0xFFFFFD40] =	vst.add.f32.msk $0xffff, v11  }
0x3c7: {  	v10 =	vld.idx.msk [tilespmem:v8+s26+$0x0], $0xffff  }
0x3c8: {  	[tilespmem:s2+$0xFFFFFD50] =	vst.add.f32.msk $0xffff, v59  }
0x3c9: {  	[tilespmem:s2+$0xFFFFFD60] =	vst.add.f32.msk $0xffff, v60  }
0x3ca: {  	v11 =	vld.idx.msk [tilespmem:v9+s26+$0x0], $0xffff  }
0x3cb: {  	[tilespmem:s2+$0xFFFFFE80] =	vst.add.f32.msk $0xffff, v6  }
0x3cc: {  	[tilespmem:s2+$0xFFFFFD70] =	vst.add.f32.msk $0xffff, v61  }
0x3cd: {  	v62 =	vld.idx.msk [tilespmem:v1+s26+$0x0], $0xffff  }
0x3ce: {  	v6 =	vld.idx.msk [tilespmem:v5+s29+$0x0], $0xffff  }
0x3cf: {  	v63 =	vld.idx.msk [tilespmem:v0+s26+$0x0], $0xffff  }
0x3d0: {  	[tilespmem:s2+$0xFFFFFDC0] =	vst.add.f32.msk $0xffff, v10  }
0x3d1: {  	v10 =	vld.idx.msk [tilespmem:v8+s28+$0x0], $0xffff  }
0x3d2: {  	[tilespmem:s2+$0xFFFFFDD0] =	vst.add.f32.msk $0xffff, v11  }
0x3d3: {  	[tilespmem:s2+$0xFFFFFDE0] =	vst.add.f32.msk $0xffff, v62  }
0x3d4: {  	v11 =	vld.idx.msk [tilespmem:v9+s28+$0x0], $0xffff  }
0x3d5: {  	[tilespmem:s2+$0xFFFFFF00] =	vst.add.f32.msk $0xffff, v6  }
0x3d6: {  	v6 =	vld.idx.msk [tilespmem:v2+s19+$0x0], $0xffff  }
0x3d7: {  	[tilespmem:s2+$0xFFFFFDF0] =	vst.add.f32.msk $0xffff, v63  }
0x3d8: {  	v12 =	vld.idx.msk [tilespmem:v1+s28+$0x0], $0xffff  }
0x3d9: {  	v4 =	vld.idx.msk [tilespmem:v5+s30+$0x0], $0xffff  }
0x3da: {  	v13 =	vld.idx.msk [tilespmem:v0+s28+$0x0], $0xffff  }
0x3db: {  	[tilespmem:s2+$0xFFFFFE40] =	vst.add.f32.msk $0xffff, v10  }
0x3dc: {  	v10 =	vld.idx.msk [tilespmem:v8+s29+$0x0], $0xffff  }
0x3dd: {  	[tilespmem:s2+$0xFFFFFE50] =	vst.add.f32.msk $0xffff, v11  }
0x3de: {  	[tilespmem:s2+$0xFFFFFD10] =	vst.add.f32.msk $0xffff, v6  }
0x3df: {  	[tilespmem:s2+$0xFFFFFE60] =	vst.add.f32.msk $0xffff, v12  }
0x3e0: {  	v11 =	vld.idx.msk [tilespmem:v9+s29+$0x0], $0xffff  }
0x3e1: {  	[tilespmem:s2+$0xFFFFFF80] =	vst.add.f32.msk $0xffff, v4  }
0x3e2: {  	[tilespmem:s2+$0xFFFFFE70] =	vst.add.f32.msk $0xffff, v13  }
0x3e3: {  	v12 =	vld.idx.msk [tilespmem:v1+s29+$0x0], $0xffff  }
0x3e4: {  	v4 =	vld.idx.msk [tilespmem:v5+s31+$0x0], $0xffff  }
0x3e5: {  	v5 =	vld.idx.msk [tilespmem:v7+s19+$0x0], $0xffff  }
0x3e6: {  	v13 =	vld.idx.msk [tilespmem:v0+s29+$0x0], $0xffff  }
0x3e7: {  	[tilespmem:s2+$0xFFFFFEC0] =	vst.add.f32.msk $0xffff, v10  }
0x3e8: {  	v10 =	vld.idx.msk [tilespmem:v8+s30+$0x0], $0xffff  }
0x3e9: {  	[tilespmem:s2+$0xFFFFFED0] =	vst.add.f32.msk $0xffff, v11  }
0x3ea: {  	[tilespmem:s2+$0xFFFFFEE0] =	vst.add.f32.msk $0xffff, v12  }
0x3eb: {  	v11 =	vld.idx.msk [tilespmem:v9+s30+$0x0], $0xffff  }
0x3ec: {  	[tilespmem:s2+$0x0] =	vst.add.f32.msk $0xffff, v4  }
0x3ed: {  	[tilespmem:s2+$0xFFFFFD30] =	vst.add.f32.msk $0xffff, v5  }
0x3ee: {  	v4 =	vld.idx.msk [tilespmem:v2+s26+$0x0], $0xffff  }
0x3ef: {  	v5 =	vld.idx.msk [tilespmem:v3+s26+$0x0], $0xffff  }
0x3f0: {  	[tilespmem:s2+$0xFFFFFEF0] =	vst.add.f32.msk $0xffff, v13  }
0x3f1: {  	v12 =	vld.idx.msk [tilespmem:v1+s30+$0x0], $0xffff  }
0x3f2: {  	v6 =	vld.idx.msk [tilespmem:v7+s26+$0x0], $0xffff  }
0x3f3: {  	v13 =	vld.idx.msk [tilespmem:v0+s30+$0x0], $0xffff  }
0x3f4: {  	[tilespmem:s2+$0xFFFFFF40] =	vst.add.f32.msk $0xffff, v10  }
0x3f5: {  	[tilespmem:s2+$0xFFFFFD90] =	vst.add.f32.msk $0xffff, v4  }
0x3f6: {  	[tilespmem:s2+$0xFFFFFDA0] =	vst.add.f32.msk $0xffff, v5  }
0x3f7: {  	v4 =	vld.idx.msk [tilespmem:v2+s28+$0x0], $0xffff  }
0x3f8: {  	v5 =	vld.idx.msk [tilespmem:v3+s28+$0x0], $0xffff  }
0x3f9: {  	[tilespmem:s2+$0xFFFFFF50] =	vst.add.f32.msk $0xffff, v11  }
0x3fa: {  	[tilespmem:s2+$0xFFFFFDB0] =	vst.add.f32.msk $0xffff, v6  }
0x3fb: {  	v6 =	vld.idx.msk [tilespmem:v7+s28+$0x0], $0xffff  }
0x3fc: {  	[tilespmem:s2+$0xFFFFFE10] =	vst.add.f32.msk $0xffff, v4  }
0x3fd: {  	[tilespmem:s2+$0xFFFFFE20] =	vst.add.f32.msk $0xffff, v5  }
0x3fe: {  	v4 =	vld.idx.msk [tilespmem:v2+s29+$0x0], $0xffff  }
0x3ff: {  	v5 =	vld.idx.msk [tilespmem:v3+s29+$0x0], $0xffff  }
0x400: {  	[tilespmem:s2+$0xFFFFFF60] =	vst.add.f32.msk $0xffff, v12  }
0x401: {  	[tilespmem:s2+$0xFFFFFE30] =	vst.add.f32.msk $0xffff, v6  }
0x402: {  	v6 =	vld.idx.msk [tilespmem:v7+s29+$0x0], $0xffff  }
0x403: {  	[tilespmem:s2+$0xFFFFFE90] =	vst.add.f32.msk $0xffff, v4  }
0x404: {  	[tilespmem:s2+$0xFFFFFEA0] =	vst.add.f32.msk $0xffff, v5  }
0x405: {  	v4 =	vld.idx.msk [tilespmem:v2+s30+$0x0], $0xffff  }
0x406: {  	v5 =	vld.idx.msk [tilespmem:v3+s30+$0x0], $0xffff  }
0x407: {  	[tilespmem:s2+$0xFFFFFF70] =	vst.add.f32.msk $0xffff, v13  }
0x408: {  	[tilespmem:s2+$0xFFFFFEB0] =	vst.add.f32.msk $0xffff, v6  }
0x409: {  	v6 =	vld.idx.msk [tilespmem:v7+s30+$0x0], $0xffff  }
0x40a: {  	[tilespmem:s2+$0xFFFFFF10] =	vst.add.f32.msk $0xffff, v4  }
0x40b: {  	[tilespmem:s2+$0xFFFFFF20] =	vst.add.f32.msk $0xffff, v5  }
0x40c: {  	v5 =	vld.idx.msk [tilespmem:v8+s31+$0x0], $0xffff  }
0x40d: {  	v8 =	vld.idx.msk [tilespmem:v9+s31+$0x0], $0xffff  }
0x40e: {  	[tilespmem:s2+$0xFFFFFF30] =	vst.add.f32.msk $0xffff, v6  }
0x40f: {  	v6 =	vld.idx.msk [tilespmem:v2+s31+$0x0], $0xffff  }
0x410: {  	v4 =	vld.idx.msk [tilespmem:v3+s31+$0x0], $0xffff  }
0x411: {  	s10 =	simm.s32 $0x0;
	s12 =	simm.s32 $0x1C5F0;
	v2 =	vld.idx.msk [tilespmem:v7+s31+$0x0], $0xffff  }
.LBB2_9:
0x412: {  	v3 =	vld [tilespmem:s12+$0x0];
	s10 =	sadd.s32 $0x8, s10  }
0x413: {  	v9 =	vld [tilespmem:s12+$0xFFFFFFA0];
	p0 =	slt.u32 s10, $0x38  }
0x414: {  	v10 =	vld [tilespmem:s12+$0xFFFFFFB0]  }
0x415: {  	v11 =	vld [tilespmem:s12+$0xFFFFFFC0]  }
0x416: {  	v12 =	vld [tilespmem:s12+$0xFFFFFFD0]  }
0x417: {  	v13 =	vld [tilespmem:s12+$0xFFFFFFE0];
	v7 =	vshll.u32 v3, $0x3  }
0x418: {  	v3 =	vand.u32 $0x7F, v3;
	v14 =	vshll.u32 v9, $0x3;
	v15 =	vld [tilespmem:s12+$0xFFFFFFF0];
	v7 =	vand.u32 $0xFFFFFC00, v7  }
0x419: {  	v16 =	vld [tilespmem:s12+$0xFFFFFF90];
	v14 =	vand.u32 $0xFFFFFC00, v14;
	v17 =	vshll.u32 v10, $0x3;
	v7 =	vor.u32 v3, v7  }
0x41a: {  	v3 =	vand.u32 $0x7F, v9;
	v9 =	vand.u32 $0xFFFFFC00, v17;
	v17 =	vshll.u32 v11, $0x3;
	v18 =	vld.idx.msk [tilespmem:v1+s31+$0x0], $0xffff  }
0x41b: {  	v1 =	vand.u32 $0x7F, v10;
	v10 =	vand.u32 $0xFFFFFC00, v17;
	v17 =	vshll.u32 v12, $0x3;
	v19 =	vld.idx.msk [tilespmem:v0+s31+$0x0], $0xffff  }
0x41c: {  	v0 =	vand.u32 $0x7F, v11;
	v11 =	vand.u32 $0xFFFFFC00, v17;
	v17 =	vshll.u32 v13, $0x3;
	[tilespmem:s2+$0xFFFFFF90] =	vst.add.f32.msk $0xffff, v6  }
0x41d: {  	v12 =	vand.u32 $0x7F, v12;
	v17 =	vand.u32 $0xFFFFFC00, v17;
	v6 =	vshll.u32 v15, $0x3;
	[tilespmem:s2+$0xFFFFFFA0] =	vst.add.f32.msk $0xffff, v4  }
0x41e: {  	v4 =	vand.u32 $0x7F, v16;
	v16 =	vshll.u32 v16, $0x3;
	v20 =	vand.u32 $0xFFFFFC00, v6;
	v21 =	vld.idx.msk [tilespmem:v7+s5+$0x0], $0xffff  }
0x41f: {  	v13 =	vand.u32 $0x7F, v13;
	v15 =	vand.u32 $0x7F, v15;
	v6 =	vand.u32 $0xFFFFFC00, v16;
	[tilespmem:s2+$0xFFFFFFB0] =	vst.add.f32.msk $0xffff, v2  }
0x420: {  	v2 =	vor.u32 v1, v9;
	v6 =	vor.u32 v4, v6;
	v4 =	vor.u32 v3, v14;
	[tilespmem:s2+$0xFFFFFFC0] =	vst.add.f32.msk $0xffff, v5  }
0x421: {  	v1 =	vor.u32 v13, v17;
	v5 =	vor.u32 v0, v10;
	v3 =	vor.u32 v12, v11;
	[tilespmem:s2+$0xFFFFFFD0] =	vst.add.f32.msk $0xffff, v8  }
0x422: {  	v0 =	vor.u32 v15, v20;
	[tilespmem:s2+$0xFFFFFFE0] =	vst.add.f32.msk $0xffff, v18  }
0x423: {  	[tilespmem:s2+$0xFFFFFFF0] =	vst.add.f32.msk $0xffff, v19;
	s2 =	sadd.s32 $0x400, s2  }
0x424: {  	[tilespmem:s2+$0xFFFFFC80] =	vst.add.f32.msk $0xffff, v21  }
0x425: {  	v8 =	vld.idx.msk [tilespmem:v7+s25+$0x0], $0xffff  }
0x426: {  	v9 =	vld.idx.msk [tilespmem:v6+s5+$0x0], $0xffff  }
0x427: {  	v10 =	vld.idx.msk [tilespmem:v4+s5+$0x0], $0xffff  }
0x428: {  	v11 =	vld.idx.msk [tilespmem:v2+s5+$0x0], $0xffff  }
0x429: {  	v12 =	vld.idx.msk [tilespmem:v5+s5+$0x0], $0xffff  }
0x42a: {  	v13 =	vld.idx.msk [tilespmem:v3+s5+$0x0], $0xffff  }
0x42b: {  	[tilespmem:s2+$0xFFFFFD00] =	vst.add.f32.msk $0xffff, v8  }
0x42c: {  	v8 =	vld.idx.msk [tilespmem:v7+s19+$0x0], $0xffff  }
0x42d: {  	v14 =	vld.idx.msk [tilespmem:v1+s5+$0x0], $0xffff  }
0x42e: {  	v15 =	vld.idx.msk [tilespmem:v0+s5+$0x0], $0xffff  }
0x42f: {  	[tilespmem:s2+$0xFFFFFC10] =	vst.add.f32.msk $0xffff, v9  }
0x430: {  	[tilespmem:s2+$0xFFFFFC20] =	vst.add.f32.msk $0xffff, v10  }
0x431: {  	[tilespmem:s2+$0xFFFFFC30] =	vst.add.f32.msk $0xffff, v11  }
0x432: {  	[tilespmem:s2+$0xFFFFFD80] =	vst.add.f32.msk $0xffff, v8  }
0x433: {  	v8 =	vld.idx.msk [tilespmem:v7+s26+$0x0], $0xffff  }
0x434: {  	[tilespmem:s2+$0xFFFFFC40] =	vst.add.f32.msk $0xffff, v12  }
0x435: {  	[tilespmem:s2+$0xFFFFFC50] =	vst.add.f32.msk $0xffff, v13  }
0x436: {  	[tilespmem:s2+$0xFFFFFC60] =	vst.add.f32.msk $0xffff, v14  }
0x437: {  	[tilespmem:s2+$0xFFFFFC70] =	vst.add.f32.msk $0xffff, v15  }
0x438: {  	v9 =	vld.idx.msk [tilespmem:v6+s25+$0x0], $0xffff  }
0x439: {  	[tilespmem:s2+$0xFFFFFE00] =	vst.add.f32.msk $0xffff, v8  }
0x43a: {  	v8 =	vld.idx.msk [tilespmem:v7+s28+$0x0], $0xffff  }
0x43b: {  	v10 =	vld.idx.msk [tilespmem:v4+s25+$0x0], $0xffff  }
0x43c: {  	v11 =	vld.idx.msk [tilespmem:v2+s25+$0x0], $0xffff  }
0x43d: {  	v12 =	vld.idx.msk [tilespmem:v5+s25+$0x0], $0xffff  }
0x43e: {  	v13 =	vld.idx.msk [tilespmem:v3+s25+$0x0], $0xffff  }
0x43f: {  	v14 =	vld.idx.msk [tilespmem:v1+s25+$0x0], $0xffff  }
0x440: {  	[tilespmem:s2+$0xFFFFFE80] =	vst.add.f32.msk $0xffff, v8  }
0x441: {  	v8 =	vld.idx.msk [tilespmem:v7+s29+$0x0], $0xffff  }
0x442: {  	v15 =	vld.idx.msk [tilespmem:v0+s25+$0x0], $0xffff  }
0x443: {  	[tilespmem:s2+$0xFFFFFC90] =	vst.add.f32.msk $0xffff, v9  }
0x444: {  	[tilespmem:s2+$0xFFFFFCA0] =	vst.add.f32.msk $0xffff, v10  }
0x445: {  	[tilespmem:s2+$0xFFFFFCB0] =	vst.add.f32.msk $0xffff, v11  }
0x446: {  	[tilespmem:s2+$0xFFFFFCC0] =	vst.add.f32.msk $0xffff, v12  }
0x447: {  	[tilespmem:s2+$0xFFFFFF00] =	vst.add.f32.msk $0xffff, v8  }
0x448: {  	v8 =	vld.idx.msk [tilespmem:v7+s30+$0x0], $0xffff  }
0x449: {  	[tilespmem:s2+$0xFFFFFCD0] =	vst.add.f32.msk $0xffff, v13  }
0x44a: {  	[tilespmem:s2+$0xFFFFFCE0] =	vst.add.f32.msk $0xffff, v14  }
0x44b: {  	[tilespmem:s2+$0xFFFFFCF0] =	vst.add.f32.msk $0xffff, v15  }
0x44c: {  	v9 =	vld.idx.msk [tilespmem:v6+s19+$0x0], $0xffff  }
0x44d: {  	v10 =	vld.idx.msk [tilespmem:v4+s19+$0x0], $0xffff  }
0x44e: {  	[tilespmem:s2+$0xFFFFFF80] =	vst.add.f32.msk $0xffff, v8  }
0x44f: {  	v7 =	vld.idx.msk [tilespmem:v7+s31+$0x0], $0xffff  }
0x450: {  	v8 =	vld.idx.msk [tilespmem:v2+s19+$0x0], $0xffff  }
0x451: {  	v11 =	vld.idx.msk [tilespmem:v5+s19+$0x0], $0xffff  }
0x452: {  	v12 =	vld.idx.msk [tilespmem:v3+s19+$0x0], $0xffff  }
0x453: {  	v13 =	vld.idx.msk [tilespmem:v1+s19+$0x0], $0xffff  }
0x454: {  	v14 =	vld.idx.msk [tilespmem:v0+s19+$0x0], $0xffff  }
0x455: {  	[tilespmem:s2+$0x0] =	vst.add.f32.msk $0xffff, v7  }
0x456: {  	[tilespmem:s2+$0xFFFFFD10] =	vst.add.f32.msk $0xffff, v9  }
0x457: {  	[tilespmem:s2+$0xFFFFFD20] =	vst.add.f32.msk $0xffff, v10  }
0x458: {  	[tilespmem:s2+$0xFFFFFD30] =	vst.add.f32.msk $0xffff, v8  }
0x459: {  	[tilespmem:s2+$0xFFFFFD40] =	vst.add.f32.msk $0xffff, v11  }
0x45a: {  	[tilespmem:s2+$0xFFFFFD50] =	vst.add.f32.msk $0xffff, v12  }
0x45b: {  	[tilespmem:s2+$0xFFFFFD60] =	vst.add.f32.msk $0xffff, v13  }
0x45c: {  	[tilespmem:s2+$0xFFFFFD70] =	vst.add.f32.msk $0xffff, v14  }
0x45d: {  	v7 =	vld.idx.msk [tilespmem:v6+s26+$0x0], $0xffff  }
0x45e: {  	v8 =	vld.idx.msk [tilespmem:v4+s26+$0x0], $0xffff  }
0x45f: {  	v9 =	vld.idx.msk [tilespmem:v2+s26+$0x0], $0xffff  }
0x460: {  	v10 =	vld.idx.msk [tilespmem:v5+s26+$0x0], $0xffff  }
0x461: {  	v11 =	vld.idx.msk [tilespmem:v3+s26+$0x0], $0xffff  }
0x462: {  	v12 =	vld.idx.msk [tilespmem:v1+s26+$0x0], $0xffff  }
0x463: {  	v13 =	vld.idx.msk [tilespmem:v0+s26+$0x0], $0xffff  }
0x464: {  	[tilespmem:s2+$0xFFFFFD90] =	vst.add.f32.msk $0xffff, v7  }
0x465: {  	[tilespmem:s2+$0xFFFFFDA0] =	vst.add.f32.msk $0xffff, v8  }
0x466: {  	[tilespmem:s2+$0xFFFFFDB0] =	vst.add.f32.msk $0xffff, v9  }
0x467: {  	[tilespmem:s2+$0xFFFFFDC0] =	vst.add.f32.msk $0xffff, v10  }
0x468: {  	[tilespmem:s2+$0xFFFFFDD0] =	vst.add.f32.msk $0xffff, v11  }
0x469: {  	[tilespmem:s2+$0xFFFFFDE0] =	vst.add.f32.msk $0xffff, v12  }
0x46a: {  	[tilespmem:s2+$0xFFFFFDF0] =	vst.add.f32.msk $0xffff, v13  }
0x46b: {  	v7 =	vld.idx.msk [tilespmem:v6+s28+$0x0], $0xffff  }
0x46c: {  	v8 =	vld.idx.msk [tilespmem:v4+s28+$0x0], $0xffff  }
0x46d: {  	v9 =	vld.idx.msk [tilespmem:v2+s28+$0x0], $0xffff  }
0x46e: {  	v10 =	vld.idx.msk [tilespmem:v5+s28+$0x0], $0xffff  }
0x46f: {  	v11 =	vld.idx.msk [tilespmem:v3+s28+$0x0], $0xffff  }
0x470: {  	v12 =	vld.idx.msk [tilespmem:v1+s28+$0x0], $0xffff  }
0x471: {  	v13 =	vld.idx.msk [tilespmem:v0+s28+$0x0], $0xffff  }
0x472: {  	[tilespmem:s2+$0xFFFFFE10] =	vst.add.f32.msk $0xffff, v7  }
0x473: {  	[tilespmem:s2+$0xFFFFFE20] =	vst.add.f32.msk $0xffff, v8  }
0x474: {  	[tilespmem:s2+$0xFFFFFE30] =	vst.add.f32.msk $0xffff, v9  }
0x475: {  	[tilespmem:s2+$0xFFFFFE40] =	vst.add.f32.msk $0xffff, v10  }
0x476: {  	[tilespmem:s2+$0xFFFFFE50] =	vst.add.f32.msk $0xffff, v11  }
0x477: {  	[tilespmem:s2+$0xFFFFFE60] =	vst.add.f32.msk $0xffff, v12  }
0x478: {  	[tilespmem:s2+$0xFFFFFE70] =	vst.add.f32.msk $0xffff, v13  }
0x479: {  	v7 =	vld.idx.msk [tilespmem:v6+s29+$0x0], $0xffff  }
0x47a: {  	v8 =	vld.idx.msk [tilespmem:v4+s29+$0x0], $0xffff  }
0x47b: {  	v9 =	vld.idx.msk [tilespmem:v2+s29+$0x0], $0xffff  }
0x47c: {  	v10 =	vld.idx.msk [tilespmem:v5+s29+$0x0], $0xffff  }
0x47d: {  	v11 =	vld.idx.msk [tilespmem:v3+s29+$0x0], $0xffff  }
0x47e: {  	v12 =	vld.idx.msk [tilespmem:v1+s29+$0x0], $0xffff  }
0x47f: {  	v13 =	vld.idx.msk [tilespmem:v0+s29+$0x0], $0xffff  }
0x480: {  	[tilespmem:s2+$0xFFFFFE90] =	vst.add.f32.msk $0xffff, v7  }
0x481: {  	[tilespmem:s2+$0xFFFFFEA0] =	vst.add.f32.msk $0xffff, v8  }
0x482: {  	[tilespmem:s2+$0xFFFFFEB0] =	vst.add.f32.msk $0xffff, v9  }
0x483: {  	[tilespmem:s2+$0xFFFFFEC0] =	vst.add.f32.msk $0xffff, v10  }
0x484: {  	[tilespmem:s2+$0xFFFFFED0] =	vst.add.f32.msk $0xffff, v11  }
0x485: {  	[tilespmem:s2+$0xFFFFFEE0] =	vst.add.f32.msk $0xffff, v12  }
0x486: {  	[tilespmem:s2+$0xFFFFFEF0] =	vst.add.f32.msk $0xffff, v13  }
0x487: {  	v7 =	vld.idx.msk [tilespmem:v6+s30+$0x0], $0xffff  }
0x488: {  	v8 =	vld.idx.msk [tilespmem:v4+s30+$0x0], $0xffff  }
0x489: {  	v9 =	vld.idx.msk [tilespmem:v2+s30+$0x0], $0xffff  }
0x48a: {  	v10 =	vld.idx.msk [tilespmem:v5+s30+$0x0], $0xffff  }
0x48b: {  	v11 =	vld.idx.msk [tilespmem:v3+s30+$0x0], $0xffff  }
0x48c: {  	v12 =	vld.idx.msk [tilespmem:v1+s30+$0x0], $0xffff  }
0x48d: {  	v13 =	vld.idx.msk [tilespmem:v0+s30+$0x0], $0xffff  }
0x48e: {  	[tilespmem:s2+$0xFFFFFF10] =	vst.add.f32.msk $0xffff, v7  }
0x48f: {  	[tilespmem:s2+$0xFFFFFF20] =	vst.add.f32.msk $0xffff, v8  }
0x490: {  	[tilespmem:s2+$0xFFFFFF30] =	vst.add.f32.msk $0xffff, v9  }
0x491: {  	[tilespmem:s2+$0xFFFFFF40] =	vst.add.f32.msk $0xffff, v10  }
0x492: {  	[tilespmem:s2+$0xFFFFFF50] =	vst.add.f32.msk $0xffff, v11  }
0x493: {  	[tilespmem:s2+$0xFFFFFF60] =	vst.add.f32.msk $0xffff, v12  }
0x494: {  	[tilespmem:s2+$0xFFFFFF70] =	vst.add.f32.msk $0xffff, v13  }
.Ltmp3:
0x495: {  	v6 =	vld.idx.msk [tilespmem:v6+s31+$0x0], $0xffff;
	(pc) =	sbr.rel @p0 .LBB2_9-.Ltmp3, $4  }
0x496: {  	v4 =	vld.idx.msk [tilespmem:v4+s31+$0x0], $0xffff  }
0x497: {  	v2 =	vld.idx.msk [tilespmem:v2+s31+$0x0], $0xffff  }
0x498: {  	v5 =	vld.idx.msk [tilespmem:v5+s31+$0x0], $0xffff  }
0x499: {  	s12 =	sadd.s32 $0x100, s12;
	v8 =	vld.idx.msk [tilespmem:v3+s31+$0x0], $0xffff  }
0x49a: {  	_ =	sdelay $0x3  }
0x49b: {  	v1 =	vld.idx.msk [tilespmem:v1+s31+$0x0], $0xffff  }
0x49c: {  	v0 =	vld.idx.msk [tilespmem:v0+s31+$0x0], $0xffff  }
0x49d: {  	[tilespmem:s2+$0xFFFFFF90] =	vst.add.f32.msk $0xffff, v6  }
0x49e: {  	s15 =	sadd.s32 $0x1, s15;
	[tilespmem:s2+$0xFFFFFFA0] =	vst.add.f32.msk $0xffff, v4  }
0x49f: {  	p0 =	sne.s32 s15, $0x32;
	[tilespmem:s2+$0xFFFFFFB0] =	vst.add.f32.msk $0xffff, v2  }
.Ltmp4:
0x4a0: {  	[tilespmem:s2+$0xFFFFFFC0] =	vst.add.f32.msk $0xffff, v5;
	(pc) =	sbr.rel @p0 .LBB2_2-.Ltmp4, $4  }
0x4a1: {  	s10 =	sadd.s32 s11, s13;
	[tilespmem:s2+$0xFFFFFFD0] =	vst.add.f32.msk $0xffff, v8  }
0x4a2: {  	s10 =	sshrl.u32 s10, $0x3;
	[tilespmem:s2+$0xFFFFFFE0] =	vst.add.f32.msk $0xffff, v1  }
0x4a3: {  	s23 =	simm.s32 $0x19C00;
	s16 =	sadd.s32 s4, s10;
	[tilespmem:s2+$0xFFFFFFF0] =	vst.add.f32.msk $0xffff, v0  }
0x4a4: {  	[hbm4b:s16+s5] =	stream.linear.scatter [tilespmem:s23], [sflag:$0x6], $0x2000, $0x38;
	[tilespmem:$0x1CC00] =	vst v63  }
0x4a5: {  	s2 =	simm.s32 $0x5  }
0x4a6: {  	_ =	swait.ge [sflag:s2], $0x2000  }
0x4a7: {  	[sflag:s2] =	ssyncset.done $0x0  }
0x4a8: {  	[sflag:s2] =	ssyncadd.s32 $0xFFFFE000  }
0x4a9: {  	_ =	swait.ge [sflag:s2], $0x2000  }
0x4aa: {  	[sflag:s2] =	ssyncset.done $0x0  }
0x4ab: {  	s10 =	simm.s32 $0x6;
	[sflag:s2] =	ssyncadd.s32 $0xFFFFE000  }
0x4ac: {  	_ =	swait.ge [sflag:s10], $0x2000  }
0x4ad: {  	[sflag:s10] =	ssyncset.done $0x0  }
0x4ae: {  	[sflag:s10] =	ssyncadd.s32 $0xFFFFE000  }
0x4af: {  	_ =	swait.ge [sflag:s10], $0x2000  }
0x4b0: {  	s11 =	rddreg [dreg:$0x9]  }
0x4b1: {  	s23 =	rddreg [dreg:$0x8];
	s11 =	sadd.s32 $0x1, s11  }
0x4b2: {  	p0 =	sne.s32 s11, s23  }
.Ltmp5:
0x4b3: {  	_ = 	snop;
	(pc) =	sbr.rel @p0 .LBB2_1-.Ltmp5, $3  }
0x4b4: {  	_ =	sdelay $0x1  }
0x4b5: {  	[sflag:s10] =	ssyncset.done $0x0  }
0x4b6: {  	[sflag:s10] =	ssyncadd.s32 $0xFFFFE000  }
0x4b7: {  	_ =	sfence.sel $0x180000  }
0x4b8: {  	[bflag:$0x0] =	sbarrier.arrive $0xFFFF  }
0x4b9: {  	_ =	strace $0x90000047  }
0x4ba: {  	s0 =	stileid.u32;
	[bflag:$0x2] =	sbarrier.arrive $0xFFFF  }
0x4bb: {  	p0 =	sne.s32 s0, $0x0;
	s0 =	rddreg [dreg:$0x4]  }
0x4bc: {  	s0 =	sadd.s32 @!p0 $0x100000, s0  }
0x4bd: {  	[sflag:s0] =	ssyncadd.tile.s32 @!p0 $0x1;
	_ =	shalt  }
.Lfunc_end2:
_tile_overlayer_lowered:
.L_overlay_start_2:
0x4be: {  	(tag) =	ssettag $0x2  }
0x4bf: {  	s0 =	rddreg [dreg:$0x0];
	s2 =	stileid.u32  }
0x4c0: {  	s1 =	rddreg [dreg:$0x1];
	p0 =	sne.s32 s2, $0x0  }
0x4c1: {  	s3 =	rddreg [dreg:$0x2];
	[bflag:$0x3] =	sbarrier.arrive $0xFFFF;
	s2 =	simm.s32 @!p0 $0x1C07  }
0x4c2: {  	[timem:s3], [sflag:s2] =	dma.local @!p0 [hbm:s0], s1  }
0x4c3: {  	s0 =	simm.s32 @!p0 $0x7  }
0x4c4: {  	_ =	swait.ge @!p0 [sflag:s0], s1  }
0x4c5: {  	s1 =	ssub.s32 @!p0 $0x0, s1;
	[sflag:s0] =	ssyncset.done @!p0 $0x0  }
0x4c6: {  	[sflag:s0] =	ssyncadd.s32 @!p0 s1  }
0x4c7: {  	[bflag:$0x3] =	sbarrier.arrive $0xFFFF  }
0x4c8: {  	_ =	shalt  }

</sc_bundles>
